<compile_context>
chip_gen: v7x
topology: tpu7x:2x2x1
jax: 0.10.2.dev20260603
libtpu: 0.0.44.dev20260713+nightly
codegen_flags: <defaults>
</compile_context>

<pallas_src>
import functools

import jax
import jax.numpy as jnp
from jax import lax
from jax.experimental import pallas as pl
from jax.experimental.pallas import tpu as pltpu
from jax.experimental.pallas import tpu_sc as plsc

B = 256
F = 16384
L = 16
NC = 2
NS = 16
NW = NC * NS
B_PER_W = B // NW
BATCHES = ((0, 1, 2), (3, 4, 5), (6, 7))
C = 4096
UNROLL = 4


def _body(n_chunks, inp_hbm, packed_hbm, vals_hbm, bias_idx_hbm,
          bias_val_hbm, out_hbm, inp0_v, inp1_v, inp2_v,
          acc0_v, acc1_v, acc2_v, pk0_v, vl0_v, pk1_v, vl1_v,
          bi_v, bv_v, sem0, sem1):
  inp_refs = (inp0_v, inp1_v, inp2_v)
  acc_refs = (acc0_v, acc1_v, acc2_v)
  pk_refs = (pk0_v, pk1_v)
  vl_refs = (vl0_v, vl1_v)
  sems = (sem0, sem1)
  cid = lax.axis_index("c")
  sid = lax.axis_index("s")
  wid = sid * NC + cid
  b_base = wid * B_PER_W

  pltpu.sync_copy(bias_idx_hbm, bi_v)
  pltpu.sync_copy(bias_val_hbm, bv_v)
  n_bias_vec = bi_v.shape[0] // L

  def start_fetch(ch, slot):
    pltpu.async_copy(packed_hbm.at[pl.ds(ch * C, C)], pk_refs[slot],
                     sems[slot])
    pltpu.async_copy(vals_hbm.at[pl.ds(ch * C, C)], vl_refs[slot],
                     sems[slot])

  def wait_fetch(ch, slot):
    pltpu.make_async_copy(packed_hbm.at[pl.ds(ch * C, C)], pk_refs[slot],
                          sems[slot]).wait()
    pltpu.make_async_copy(vals_hbm.at[pl.ds(ch * C, C)], vl_refs[slot],
                          sems[slot]).wait()

  n_pairs = n_chunks // 2
  assert n_pairs * 2 == n_chunks

  for group in BATCHES:
    nb = len(group)

    def process(slot, nb=nb):
      pk_ref, vl_ref = pk_refs[slot], vl_refs[slot]

      @plsc.parallel_loop(0, C, step=L, unroll=UNROLL)
      def _(off):
        pk = pk_ref[pl.ds(off, L)]
        v = vl_ref[pl.ds(off, L)]
        r = pk >> 14
        c = pk & (F - 1)
        for j in range(nb):
          x = plsc.load_gather(inp_refs[j], [c])
          plsc.addupdate_scatter(acc_refs[j], [r], x * v)

    start_fetch(0, 0)

    for j, db in enumerate(group):
      pltpu.sync_copy(inp_hbm.at[b_base + db], inp_refs[j])

      @plsc.parallel_loop(0, F, step=L, unroll=UNROLL)
      def _(off, j=j):
        acc_refs[j][pl.ds(off, L)] = jnp.zeros((L,), jnp.float32)

      def bias_body(i, _, j=j):
        idx = bi_v[pl.ds(i * L, L)]
        val = bv_v[pl.ds(i * L, L)]
        plsc.addupdate_scatter(acc_refs[j], [idx], val)
        return 0
      lax.fori_loop(0, n_bias_vec, bias_body, 0)

    def pair_body(p, _, process=process):
      ch0 = 2 * p
      start_fetch(ch0 + 1, 1)
      wait_fetch(ch0, 0)
      process(0)

      @pl.when(p < n_pairs - 1)
      def _():
        start_fetch(ch0 + 2, 0)
      wait_fetch(ch0 + 1, 1)
      process(1)
      return 0
    lax.fori_loop(0, n_pairs, pair_body, 0)

    for j, db in enumerate(group):
      pltpu.sync_copy(acc_refs[j], out_hbm.at[b_base + db])


def kernel(input, weight_indices, weight_values, bias_indices, bias_values):
  rows = weight_indices[0].astype(jnp.int32)
  cols = weight_indices[1].astype(jnp.int32)
  packed = rows * F + cols
  vals = weight_values.astype(jnp.float32)

  nnz = packed.shape[0]
  n_chunks = -(-nnz // C)
  if n_chunks % 2:
    n_chunks += 1
  pad = n_chunks * C - nnz
  packed = jnp.concatenate([packed, jnp.zeros((pad,), jnp.int32)])
  vals = jnp.concatenate([vals, jnp.zeros((pad,), jnp.float32)])

  bias_idx = bias_indices.astype(jnp.int32)
  bn = bias_idx.shape[0]
  bias_pad = -(-bn // L) * L - bn
  bias_idx = jnp.concatenate([bias_idx, jnp.zeros((bias_pad,), jnp.int32)])
  bias_val = jnp.concatenate(
      [bias_values.astype(jnp.float32), jnp.zeros((bias_pad,), jnp.float32)])

  mesh = plsc.VectorSubcoreMesh(core_axis_name="c", subcore_axis_name="s")
  run = pl.kernel(
      functools.partial(_body, n_chunks),
      out_type=jax.ShapeDtypeStruct((B, F), jnp.float32),
      mesh=mesh,
      compiler_params=pltpu.CompilerParams(needs_layout_passes=False),
      scratch_types=[
          pltpu.VMEM((F,), jnp.float32),
          pltpu.VMEM((F,), jnp.float32),
          pltpu.VMEM((F,), jnp.float32),
          pltpu.VMEM((F,), jnp.float32),
          pltpu.VMEM((F,), jnp.float32),
          pltpu.VMEM((F,), jnp.float32),
          pltpu.VMEM((C,), jnp.int32),
          pltpu.VMEM((C,), jnp.float32),
          pltpu.VMEM((C,), jnp.int32),
          pltpu.VMEM((C,), jnp.float32),
          pltpu.VMEM((bias_idx.shape[0],), jnp.int32),
          pltpu.VMEM((bias_idx.shape[0],), jnp.float32),
          pltpu.SemaphoreType.DMA,
          pltpu.SemaphoreType.DMA,
      ],
  )
  return run(input, packed, vals, bias_idx, bias_val)

# --- scband reference (transcript-rebuilt; emitter-appended) ---
"""Pipeline reference for scband-expanding-linear-75720273428633 (READ-ONLY COPY).

The authoritative reference and input builder live on the scoring server;
editing this copy changes nothing except your own understanding.
"""

import jax, jax.numpy as jnp
import numpy as np

B = 256
IN_F = 16384
OUT_F = 16384
NNZ = 268435
BIAS_NNZ = 1638

def setup_inputs(seed: int = 0) -> dict:
    key = jax.random.key(seed)
    k1, k2, k3, k4, k5 = jax.random.split(key, 5)
    inp = {}
    inp['input'] = jax.random.normal(k1, (B, IN_F), dtype=jnp.float32)
    inp['weight_indices'] = jax.random.randint(k2, (2, NNZ), 0, OUT_F, dtype=jnp.int64) if jax.config.jax_enable_x64 else jax.random.randint(k2, (2, NNZ), 0, OUT_F, dtype=jnp.int32)
    inp['weight_values'] = jax.random.normal(k3, (NNZ,), dtype=jnp.float32)
    inp['bias_indices'] = jax.random.randint(k4, (BIAS_NNZ,), 0, OUT_F, dtype=jnp.int32)
    inp['bias_values'] = jax.random.normal(k5, (BIAS_NNZ,), dtype=jnp.float32)
    return inp

def reference(input, weight_indices, weight_values, bias_indices, bias_values):
    # ExpandingLinear.forward with last_iteration == -1 (no EmbedLinear layers):
    #   sparse_weight = sparse_coo(weight_indices, weight_values, [OUT_F, IN_F])
    #   output = (sparse_weight @ input.T).T + sparse_bias.to_dense()[None, :]
    rows = weight_indices[0]
    cols = weight_indices[1]
    # gather input columns for each nnz entry: [nnz, B]
    gathered = jnp.take(input, cols, axis=1).T
    weighted = gathered * weight_values[:, None]
    # scatter-add contributions into output rows (sparse mm): [OUT_F, B]
    out = jax.ops.segment_sum(weighted, rows, num_segments=OUT_F)
    out = out.T  # [B, OUT_F]
    # sparse bias densified (coalesce sums duplicate indices -> scatter-add)
    bias_dense = jnp.zeros((OUT_F,), dtype=jnp.float32).at[bias_indices].add(bias_values)
    return out + bias_dense[None, :]

if __name__ == "__main__":
    import jax
    _d = setup_inputs()
    print(jax.jit(kernel)(*tuple(_d.values())))

</pallas_src>

<mosaic_0001>
#map = affine_map<(d0, d1) -> (0, 0)>
#map1 = affine_map<(d0, d1) -> (0)>
module attributes {stable_mosaic.version = 14 : i64} {
  func.func @_body(%arg0: i32, %arg1: i32, %arg2: memref<256x16384xf32, #tpu.memory_space<hbm>>, %arg3: memref<270336xi32, #tpu.memory_space<hbm>>, %arg4: memref<270336xf32, #tpu.memory_space<hbm>>, %arg5: memref<1648xi32, #tpu.memory_space<hbm>>, %arg6: memref<1648xf32, #tpu.memory_space<hbm>>, %arg7: memref<256x16384xf32, #tpu.memory_space<hbm>>, %arg8: memref<16384xf32, #tpu.memory_space<vmem>>, %arg9: memref<16384xf32, #tpu.memory_space<vmem>>, %arg10: memref<16384xf32, #tpu.memory_space<vmem>>, %arg11: memref<16384xf32, #tpu.memory_space<vmem>>, %arg12: memref<16384xf32, #tpu.memory_space<vmem>>, %arg13: memref<16384xf32, #tpu.memory_space<vmem>>, %arg14: memref<4096xi32, #tpu.memory_space<vmem>>, %arg15: memref<4096xf32, #tpu.memory_space<vmem>>, %arg16: memref<4096xi32, #tpu.memory_space<vmem>>, %arg17: memref<4096xf32, #tpu.memory_space<vmem>>, %arg18: memref<1648xi32, #tpu.memory_space<vmem>>, %arg19: memref<1648xf32, #tpu.memory_space<vmem>>, %arg20: memref<!tpu.dma_semaphore, #tpu.memory_space<semaphore_mem>>, %arg21: memref<!tpu.dma_semaphore, #tpu.memory_space<semaphore_mem>>) attributes {dimension_semantics = [#tpu.dimension_semantics<core_parallel>, #tpu.dimension_semantics<subcore_parallel>], iteration_bounds = array<i64: 2, 16>, scalar_prefetch = 0 : i64, scratch_operands = 14 : i64, tpu.core_type = #tpu.core_type<sc_vector_subcore>, window_params = [{transform_indices = #map}, {transform_indices = #map1}, {transform_indices = #map1}, {transform_indices = #map1}, {transform_indices = #map1}, {transform_indices = #map}]} {
    %mul3A = arith.constant 2 : i32
    %mul3A_0 = arith.muli %arg1, %mul3A : i32
    %add3A = arith.addi %mul3A_0, %arg0 : i32
    %mul3A_1 = arith.constant 8 : i32
    %mul3A_2 = arith.muli %add3A, %mul3A_1 : i32
    "tpu.region"() ({
      %run_scoped3A = tpu.sem_alloc : memref<!tpu.dma_semaphore, #tpu.memory_space<semaphore_mem>>
      tpu.enqueue_dma source(%arg5 : memref<1648xi32, #tpu.memory_space<hbm>>) target(%arg18 : memref<1648xi32, #tpu.memory_space<vmem>>) target_semaphore(%run_scoped3A : memref<!tpu.dma_semaphore, #tpu.memory_space<semaphore_mem>>)
      tpu.wait_dma2 semaphore(%run_scoped3A : memref<!tpu.dma_semaphore, #tpu.memory_space<semaphore_mem>>) src(%arg5 : memref<1648xi32, #tpu.memory_space<hbm>>) dst(%arg18 : memref<1648xi32, #tpu.memory_space<vmem>>)
      tpu.yield
    }) : () -> ()
    "tpu.region"() ({
      %run_scoped3A = tpu.sem_alloc : memref<!tpu.dma_semaphore, #tpu.memory_space<semaphore_mem>>
      tpu.enqueue_dma source(%arg6 : memref<1648xf32, #tpu.memory_space<hbm>>) target(%arg19 : memref<1648xf32, #tpu.memory_space<vmem>>) target_semaphore(%run_scoped3A : memref<!tpu.dma_semaphore, #tpu.memory_space<semaphore_mem>>)
      tpu.wait_dma2 semaphore(%run_scoped3A : memref<!tpu.dma_semaphore, #tpu.memory_space<semaphore_mem>>) src(%arg6 : memref<1648xf32, #tpu.memory_space<hbm>>) dst(%arg19 : memref<1648xf32, #tpu.memory_space<vmem>>)
      tpu.yield
    }) : () -> ()
    %dma_start3A = arith.constant 0 : i32
    %dma_start3A_3 = tpu.memref_slice %arg3[%dma_start3A] : memref<270336xi32, #tpu.memory_space<hbm>> -> memref<4096xi32, #tpu.memory_space<hbm>>
    %dma_start3A_4 = arith.constant 0 : i32
    %dma_start3A_5 = tpu.memref_slice %arg3[%dma_start3A_4] : memref<270336xi32, #tpu.memory_space<hbm>> -> memref<4096xi32, #tpu.memory_space<hbm>>
    tpu.enqueue_dma source(%dma_start3A_5 : memref<4096xi32, #tpu.memory_space<hbm>>) target(%arg14 : memref<4096xi32, #tpu.memory_space<vmem>>) target_semaphore(%arg20 : memref<!tpu.dma_semaphore, #tpu.memory_space<semaphore_mem>>)
    %dma_start3A_6 = arith.constant 0 : i32
    %dma_start3A_7 = tpu.memref_slice %arg4[%dma_start3A_6] : memref<270336xf32, #tpu.memory_space<hbm>> -> memref<4096xf32, #tpu.memory_space<hbm>>
    %dma_start3A_8 = arith.constant 0 : i32
    %dma_start3A_9 = tpu.memref_slice %arg4[%dma_start3A_8] : memref<270336xf32, #tpu.memory_space<hbm>> -> memref<4096xf32, #tpu.memory_space<hbm>>
    tpu.enqueue_dma source(%dma_start3A_9 : memref<4096xf32, #tpu.memory_space<hbm>>) target(%arg15 : memref<4096xf32, #tpu.memory_space<vmem>>) target_semaphore(%arg20 : memref<!tpu.dma_semaphore, #tpu.memory_space<semaphore_mem>>)
    %add3A_10 = arith.constant 0 : i32
    %add3A_11 = arith.addi %mul3A_2, %add3A_10 : i32
    "tpu.region"() ({
      %run_scoped3A = tpu.sem_alloc : memref<!tpu.dma_semaphore, #tpu.memory_space<semaphore_mem>>
      %dma_start3A_157 = arith.constant 0 : i32
      %dma_start3A_158 = tpu.memref_slice %arg2[%add3A_11, %dma_start3A_157] : memref<256x16384xf32, #tpu.memory_space<hbm>> -> memref<1x16384xf32, #tpu.memory_space<hbm>>
      %dma_start3A_159 = tpu.memref_squeeze %dma_start3A_158 : memref<1x16384xf32, #tpu.memory_space<hbm>> -> memref<16384xf32, #tpu.memory_space<hbm>>
      %dma_start3A_160 = arith.constant 0 : i32
      %dma_start3A_161 = tpu.memref_slice %arg2[%add3A_11, %dma_start3A_160] : memref<256x16384xf32, #tpu.memory_space<hbm>> -> memref<1x16384xf32, #tpu.memory_space<hbm>>
      %dma_start3A_162 = tpu.memref_squeeze %dma_start3A_161 : memref<1x16384xf32, #tpu.memory_space<hbm>> -> memref<16384xf32, #tpu.memory_space<hbm>>
      tpu.enqueue_dma source(%dma_start3A_162 : memref<16384xf32, #tpu.memory_space<hbm>>) target(%arg8 : memref<16384xf32, #tpu.memory_space<vmem>>) target_semaphore(%run_scoped3A : memref<!tpu.dma_semaphore, #tpu.memory_space<semaphore_mem>>)
      %dma_wait3A = arith.constant 0 : i32
      %dma_wait3A_163 = tpu.memref_slice %arg2[%add3A_11, %dma_wait3A] : memref<256x16384xf32, #tpu.memory_space<hbm>> -> memref<1x16384xf32, #tpu.memory_space<hbm>>
      %dma_wait3A_164 = tpu.memref_squeeze %dma_wait3A_163 : memref<1x16384xf32, #tpu.memory_space<hbm>> -> memref<16384xf32, #tpu.memory_space<hbm>>
      %dma_wait3A_165 = arith.constant 0 : i32
      %dma_wait3A_166 = tpu.memref_slice %arg2[%add3A_11, %dma_wait3A_165] : memref<256x16384xf32, #tpu.memory_space<hbm>> -> memref<1x16384xf32, #tpu.memory_space<hbm>>
      %dma_wait3A_167 = tpu.memref_squeeze %dma_wait3A_166 : memref<1x16384xf32, #tpu.memory_space<hbm>> -> memref<16384xf32, #tpu.memory_space<hbm>>
      tpu.wait_dma2 semaphore(%run_scoped3A : memref<!tpu.dma_semaphore, #tpu.memory_space<semaphore_mem>>) src(%dma_wait3A_167 : memref<16384xf32, #tpu.memory_space<hbm>>) dst(%arg8 : memref<16384xf32, #tpu.memory_space<vmem>>)
      tpu.yield
    }) : () -> ()
    %parallel_loop3A = arith.constant 0 : i32
    %parallel_loop3A_12 = arith.constant 16384 : i32
    %parallel_loop3A_13 = arith.constant 16 : i32
    scf.for %parallel_loop3A_157 = %parallel_loop3A to %parallel_loop3A_12 step %parallel_loop3A_13  : i32 {
      %parallel_loop3A_158 = arith.constant 0.000000e+00 : f32
      %parallel_loop3A_159 = vector.broadcast %parallel_loop3A_158 : f32 to vector<16xf32>
      %parallel_loop3A_160 = arith.index_cast %parallel_loop3A_157 : i32 to index
      %parallel_loop3A_161 = tpu.vector_load %arg11[%parallel_loop3A_160] {strides = array<i32>} : memref<16384xf32, #tpu.memory_space<vmem>>, vector<16xf32>,
      tpu.vector_store %arg11[%parallel_loop3A_160], %parallel_loop3A_159 {strides = array<i32>} : memref<16384xf32, #tpu.memory_space<vmem>>, vector<16xf32>,
    } {sc.loop_unroll_factor = 4 : i64, sc.parallel_access}
    %scan3A = arith.constant 0 : i32
    %scan3A_14 = arith.constant 0 : i32
    %scan3A_15 = arith.constant 103 : i32
    %scan3A_16 = arith.addi %scan3A_14, %scan3A_15 : i32
    %scan3A_17 = arith.constant 1 : i32
    %scan3A_18 = scf.for %scan3A_157 = %scan3A_14 to %scan3A_16 step %scan3A_17 iter_args(%scan3A_158 = %scan3A) -> (i32)  : i32 {
      %mul3A_159 = arith.constant 16 : i32
      %mul3A_160 = arith.muli %scan3A_157, %mul3A_159 : i32
      %get3A = arith.index_cast %mul3A_160 : i32 to index
      %get3A_161 = tpu.vector_load %arg18[%get3A] {strides = array<i32>} : memref<1648xi32, #tpu.memory_space<vmem>>, vector<16xi32>,
      %mul3A_162 = arith.constant 16 : i32
      %mul3A_163 = arith.muli %scan3A_157, %mul3A_162 : i32
      %get3A_164 = arith.index_cast %mul3A_163 : i32 to index
      %get3A_165 = tpu.vector_load %arg19[%get3A_164] {strides = array<i32>} : memref<1648xf32, #tpu.memory_space<vmem>>, vector<16xf32>,
      tpu.vector_store_idx %arg11[%get3A_161], %get3A_165 {add = true} : memref<16384xf32, #tpu.memory_space<vmem>>[vector<16xi32>], vector<16xf32>,
      %scan3A_166 = arith.constant 0 : i32
      scf.yield %scan3A_166 : i32
    }
    %scan3A_19 = arith.constant 103 : i32
    %add3A_20 = arith.constant 1 : i32
    %add3A_21 = arith.addi %mul3A_2, %add3A_20 : i32
    "tpu.region"() ({
      %run_scoped3A = tpu.sem_alloc : memref<!tpu.dma_semaphore, #tpu.memory_space<semaphore_mem>>
      %dma_start3A_157 = arith.constant 0 : i32
      %dma_start3A_158 = tpu.memref_slice %arg2[%add3A_21, %dma_start3A_157] : memref<256x16384xf32, #tpu.memory_space<hbm>> -> memref<1x16384xf32, #tpu.memory_space<hbm>>
      %dma_start3A_159 = tpu.memref_squeeze %dma_start3A_158 : memref<1x16384xf32, #tpu.memory_space<hbm>> -> memref<16384xf32, #tpu.memory_space<hbm>>
      %dma_start3A_160 = arith.constant 0 : i32
      %dma_start3A_161 = tpu.memref_slice %arg2[%add3A_21, %dma_start3A_160] : memref<256x16384xf32, #tpu.memory_space<hbm>> -> memref<1x16384xf32, #tpu.memory_space<hbm>>
      %dma_start3A_162 = tpu.memref_squeeze %dma_start3A_161 : memref<1x16384xf32, #tpu.memory_space<hbm>> -> memref<16384xf32, #tpu.memory_space<hbm>>
      tpu.enqueue_dma source(%dma_start3A_162 : memref<16384xf32, #tpu.memory_space<hbm>>) target(%arg9 : memref<16384xf32, #tpu.memory_space<vmem>>) target_semaphore(%run_scoped3A : memref<!tpu.dma_semaphore, #tpu.memory_space<semaphore_mem>>)
      %dma_wait3A = arith.constant 0 : i32
      %dma_wait3A_163 = tpu.memref_slice %arg2[%add3A_21, %dma_wait3A] : memref<256x16384xf32, #tpu.memory_space<hbm>> -> memref<1x16384xf32, #tpu.memory_space<hbm>>
      %dma_wait3A_164 = tpu.memref_squeeze %dma_wait3A_163 : memref<1x16384xf32, #tpu.memory_space<hbm>> -> memref<16384xf32, #tpu.memory_space<hbm>>
      %dma_wait3A_165 = arith.constant 0 : i32
      %dma_wait3A_166 = tpu.memref_slice %arg2[%add3A_21, %dma_wait3A_165] : memref<256x16384xf32, #tpu.memory_space<hbm>> -> memref<1x16384xf32, #tpu.memory_space<hbm>>
      %dma_wait3A_167 = tpu.memref_squeeze %dma_wait3A_166 : memref<1x16384xf32, #tpu.memory_space<hbm>> -> memref<16384xf32, #tpu.memory_space<hbm>>
      tpu.wait_dma2 semaphore(%run_scoped3A : memref<!tpu.dma_semaphore, #tpu.memory_space<semaphore_mem>>) src(%dma_wait3A_167 : memref<16384xf32, #tpu.memory_space<hbm>>) dst(%arg9 : memref<16384xf32, #tpu.memory_space<vmem>>)
      tpu.yield
    }) : () -> ()
    %parallel_loop3A_22 = arith.constant 0 : i32
    %parallel_loop3A_23 = arith.constant 16384 : i32
    %parallel_loop3A_24 = arith.constant 16 : i32
    scf.for %parallel_loop3A_157 = %parallel_loop3A_22 to %parallel_loop3A_23 step %parallel_loop3A_24  : i32 {
      %parallel_loop3A_158 = arith.constant 0.000000e+00 : f32
      %parallel_loop3A_159 = vector.broadcast %parallel_loop3A_158 : f32 to vector<16xf32>
      %parallel_loop3A_160 = arith.index_cast %parallel_loop3A_157 : i32 to index
      %parallel_loop3A_161 = tpu.vector_load %arg12[%parallel_loop3A_160] {strides = array<i32>} : memref<16384xf32, #tpu.memory_space<vmem>>, vector<16xf32>,
      tpu.vector_store %arg12[%parallel_loop3A_160], %parallel_loop3A_159 {strides = array<i32>} : memref<16384xf32, #tpu.memory_space<vmem>>, vector<16xf32>,
    } {sc.loop_unroll_factor = 4 : i64, sc.parallel_access}
    %scan3A_25 = arith.constant 0 : i32
    %scan3A_26 = arith.constant 0 : i32
    %scan3A_27 = arith.constant 103 : i32
    %scan3A_28 = arith.addi %scan3A_26, %scan3A_27 : i32
    %scan3A_29 = arith.constant 1 : i32
    %scan3A_30 = scf.for %scan3A_157 = %scan3A_26 to %scan3A_28 step %scan3A_29 iter_args(%scan3A_158 = %scan3A_25) -> (i32)  : i32 {
      %mul3A_159 = arith.constant 16 : i32
      %mul3A_160 = arith.muli %scan3A_157, %mul3A_159 : i32
      %get3A = arith.index_cast %mul3A_160 : i32 to index
      %get3A_161 = tpu.vector_load %arg18[%get3A] {strides = array<i32>} : memref<1648xi32, #tpu.memory_space<vmem>>, vector<16xi32>,
      %mul3A_162 = arith.constant 16 : i32
      %mul3A_163 = arith.muli %scan3A_157, %mul3A_162 : i32
      %get3A_164 = arith.index_cast %mul3A_163 : i32 to index
      %get3A_165 = tpu.vector_load %arg19[%get3A_164] {strides = array<i32>} : memref<1648xf32, #tpu.memory_space<vmem>>, vector<16xf32>,
      tpu.vector_store_idx %arg12[%get3A_161], %get3A_165 {add = true} : memref<16384xf32, #tpu.memory_space<vmem>>[vector<16xi32>], vector<16xf32>,
      %scan3A_166 = arith.constant 0 : i32
      scf.yield %scan3A_166 : i32
    }
    %scan3A_31 = arith.constant 103 : i32
    %add3A_32 = arith.constant 2 : i32
    %add3A_33 = arith.addi %mul3A_2, %add3A_32 : i32
    "tpu.region"() ({
      %run_scoped3A = tpu.sem_alloc : memref<!tpu.dma_semaphore, #tpu.memory_space<semaphore_mem>>
      %dma_start3A_157 = arith.constant 0 : i32
      %dma_start3A_158 = tpu.memref_slice %arg2[%add3A_33, %dma_start3A_157] : memref<256x16384xf32, #tpu.memory_space<hbm>> -> memref<1x16384xf32, #tpu.memory_space<hbm>>
      %dma_start3A_159 = tpu.memref_squeeze %dma_start3A_158 : memref<1x16384xf32, #tpu.memory_space<hbm>> -> memref<16384xf32, #tpu.memory_space<hbm>>
      %dma_start3A_160 = arith.constant 0 : i32
      %dma_start3A_161 = tpu.memref_slice %arg2[%add3A_33, %dma_start3A_160] : memref<256x16384xf32, #tpu.memory_space<hbm>> -> memref<1x16384xf32, #tpu.memory_space<hbm>>
      %dma_start3A_162 = tpu.memref_squeeze %dma_start3A_161 : memref<1x16384xf32, #tpu.memory_space<hbm>> -> memref<16384xf32, #tpu.memory_space<hbm>>
      tpu.enqueue_dma source(%dma_start3A_162 : memref<16384xf32, #tpu.memory_space<hbm>>) target(%arg10 : memref<16384xf32, #tpu.memory_space<vmem>>) target_semaphore(%run_scoped3A : memref<!tpu.dma_semaphore, #tpu.memory_space<semaphore_mem>>)
      %dma_wait3A = arith.constant 0 : i32
      %dma_wait3A_163 = tpu.memref_slice %arg2[%add3A_33, %dma_wait3A] : memref<256x16384xf32, #tpu.memory_space<hbm>> -> memref<1x16384xf32, #tpu.memory_space<hbm>>
      %dma_wait3A_164 = tpu.memref_squeeze %dma_wait3A_163 : memref<1x16384xf32, #tpu.memory_space<hbm>> -> memref<16384xf32, #tpu.memory_space<hbm>>
      %dma_wait3A_165 = arith.constant 0 : i32
      %dma_wait3A_166 = tpu.memref_slice %arg2[%add3A_33, %dma_wait3A_165] : memref<256x16384xf32, #tpu.memory_space<hbm>> -> memref<1x16384xf32, #tpu.memory_space<hbm>>
      %dma_wait3A_167 = tpu.memref_squeeze %dma_wait3A_166 : memref<1x16384xf32, #tpu.memory_space<hbm>> -> memref<16384xf32, #tpu.memory_space<hbm>>
      tpu.wait_dma2 semaphore(%run_scoped3A : memref<!tpu.dma_semaphore, #tpu.memory_space<semaphore_mem>>) src(%dma_wait3A_167 : memref<16384xf32, #tpu.memory_space<hbm>>) dst(%arg10 : memref<16384xf32, #tpu.memory_space<vmem>>)
      tpu.yield
    }) : () -> ()
    %parallel_loop3A_34 = arith.constant 0 : i32
    %parallel_loop3A_35 = arith.constant 16384 : i32
    %parallel_loop3A_36 = arith.constant 16 : i32
    scf.for %parallel_loop3A_157 = %parallel_loop3A_34 to %parallel_loop3A_35 step %parallel_loop3A_36  : i32 {
      %parallel_loop3A_158 = arith.constant 0.000000e+00 : f32
      %parallel_loop3A_159 = vector.broadcast %parallel_loop3A_158 : f32 to vector<16xf32>
      %parallel_loop3A_160 = arith.index_cast %parallel_loop3A_157 : i32 to index
      %parallel_loop3A_161 = tpu.vector_load %arg13[%parallel_loop3A_160] {strides = array<i32>} : memref<16384xf32, #tpu.memory_space<vmem>>, vector<16xf32>,
      tpu.vector_store %arg13[%parallel_loop3A_160], %parallel_loop3A_159 {strides = array<i32>} : memref<16384xf32, #tpu.memory_space<vmem>>, vector<16xf32>,
    } {sc.loop_unroll_factor = 4 : i64, sc.parallel_access}
    %scan3A_37 = arith.constant 0 : i32
    %scan3A_38 = arith.constant 0 : i32
    %scan3A_39 = arith.constant 103 : i32
    %scan3A_40 = arith.addi %scan3A_38, %scan3A_39 : i32
    %scan3A_41 = arith.constant 1 : i32
    %scan3A_42 = scf.for %scan3A_157 = %scan3A_38 to %scan3A_40 step %scan3A_41 iter_args(%scan3A_158 = %scan3A_37) -> (i32)  : i32 {
      %mul3A_159 = arith.constant 16 : i32
      %mul3A_160 = arith.muli %scan3A_157, %mul3A_159 : i32
      %get3A = arith.index_cast %mul3A_160 : i32 to index
      %get3A_161 = tpu.vector_load %arg18[%get3A] {strides = array<i32>} : memref<1648xi32, #tpu.memory_space<vmem>>, vector<16xi32>,
      %mul3A_162 = arith.constant 16 : i32
      %mul3A_163 = arith.muli %scan3A_157, %mul3A_162 : i32
      %get3A_164 = arith.index_cast %mul3A_163 : i32 to index
      %get3A_165 = tpu.vector_load %arg19[%get3A_164] {strides = array<i32>} : memref<1648xf32, #tpu.memory_space<vmem>>, vector<16xf32>,
      tpu.vector_store_idx %arg13[%get3A_161], %get3A_165 {add = true} : memref<16384xf32, #tpu.memory_space<vmem>>[vector<16xi32>], vector<16xf32>,
      %scan3A_166 = arith.constant 0 : i32
      scf.yield %scan3A_166 : i32
    }
    %scan3A_43 = arith.constant 103 : i32
    %scan3A_44 = arith.constant 0 : i32
    %scan3A_45 = arith.constant 0 : i32
    %scan3A_46 = arith.constant 33 : i32
    %scan3A_47 = arith.addi %scan3A_45, %scan3A_46 : i32
    %scan3A_48 = arith.constant 1 : i32
    %scan3A_49 = scf.for %scan3A_157 = %scan3A_45 to %scan3A_47 step %scan3A_48 iter_args(%scan3A_158 = %scan3A_44) -> (i32)  : i32 {
      %mul3A_159 = arith.constant 2 : i32
      %mul3A_160 = arith.muli %mul3A_159, %scan3A_157 : i32
      %add3A_161 = arith.constant 1 : i32
      %add3A_162 = arith.addi %mul3A_160, %add3A_161 : i32
      %mul3A_163 = arith.constant 4096 : i32
      %mul3A_164 = arith.muli %add3A_162, %mul3A_163 : i32
      %dma_start3A_165 = tpu.memref_slice %arg3[%mul3A_164] : memref<270336xi32, #tpu.memory_space<hbm>> -> memref<4096xi32, #tpu.memory_space<hbm>>
      %dma_start3A_166 = tpu.memref_slice %arg3[%mul3A_164] : memref<270336xi32, #tpu.memory_space<hbm>> -> memref<4096xi32, #tpu.memory_space<hbm>>
      tpu.enqueue_dma source(%dma_start3A_166 : memref<4096xi32, #tpu.memory_space<hbm>>) target(%arg16 : memref<4096xi32, #tpu.memory_space<vmem>>) target_semaphore(%arg21 : memref<!tpu.dma_semaphore, #tpu.memory_space<semaphore_mem>>)
      %mul3A_167 = arith.constant 4096 : i32
      %mul3A_168 = arith.muli %add3A_162, %mul3A_167 : i32
      %dma_start3A_169 = tpu.memref_slice %arg4[%mul3A_168] : memref<270336xf32, #tpu.memory_space<hbm>> -> memref<4096xf32, #tpu.memory_space<hbm>>
      %dma_start3A_170 = tpu.memref_slice %arg4[%mul3A_168] : memref<270336xf32, #tpu.memory_space<hbm>> -> memref<4096xf32, #tpu.memory_space<hbm>>
      tpu.enqueue_dma source(%dma_start3A_170 : memref<4096xf32, #tpu.memory_space<hbm>>) target(%arg17 : memref<4096xf32, #tpu.memory_space<vmem>>) target_semaphore(%arg21 : memref<!tpu.dma_semaphore, #tpu.memory_space<semaphore_mem>>)
      %mul3A_171 = arith.constant 4096 : i32
      %mul3A_172 = arith.muli %mul3A_160, %mul3A_171 : i32
      %dma_wait3A = tpu.memref_slice %arg3[%mul3A_172] : memref<270336xi32, #tpu.memory_space<hbm>> -> memref<4096xi32, #tpu.memory_space<hbm>>
      %dma_wait3A_173 = tpu.memref_slice %arg3[%mul3A_172] : memref<270336xi32, #tpu.memory_space<hbm>> -> memref<4096xi32, #tpu.memory_space<hbm>>
      tpu.wait_dma2 semaphore(%arg20 : memref<!tpu.dma_semaphore, #tpu.memory_space<semaphore_mem>>) src(%dma_wait3A_173 : memref<4096xi32, #tpu.memory_space<hbm>>) dst(%arg14 : memref<4096xi32, #tpu.memory_space<vmem>>)
      %mul3A_174 = arith.constant 4096 : i32
      %mul3A_175 = arith.muli %mul3A_160, %mul3A_174 : i32
      %dma_wait3A_176 = tpu.memref_slice %arg4[%mul3A_175] : memref<270336xf32, #tpu.memory_space<hbm>> -> memref<4096xf32, #tpu.memory_space<hbm>>
      %dma_wait3A_177 = tpu.memref_slice %arg4[%mul3A_175] : memref<270336xf32, #tpu.memory_space<hbm>> -> memref<4096xf32, #tpu.memory_space<hbm>>
      tpu.wait_dma2 semaphore(%arg20 : memref<!tpu.dma_semaphore, #tpu.memory_space<semaphore_mem>>) src(%dma_wait3A_177 : memref<4096xf32, #tpu.memory_space<hbm>>) dst(%arg15 : memref<4096xf32, #tpu.memory_space<vmem>>)
      %parallel_loop3A_178 = arith.constant 0 : i32
      %parallel_loop3A_179 = arith.constant 4096 : i32
      %parallel_loop3A_180 = arith.constant 16 : i32
      scf.for %parallel_loop3A_197 = %parallel_loop3A_178 to %parallel_loop3A_179 step %parallel_loop3A_180  : i32 {
        %parallel_loop3A_198 = arith.index_cast %parallel_loop3A_197 : i32 to index
        %parallel_loop3A_199 = tpu.vector_load %arg14[%parallel_loop3A_198] {strides = array<i32>} : memref<4096xi32, #tpu.memory_space<vmem>>, vector<16xi32>,
        %parallel_loop3A_200 = arith.index_cast %parallel_loop3A_197 : i32 to index
        %parallel_loop3A_201 = tpu.vector_load %arg15[%parallel_loop3A_200] {strides = array<i32>} : memref<4096xf32, #tpu.memory_space<vmem>>, vector<16xf32>,
        %parallel_loop3A_202 = arith.constant 14 : i32
        %parallel_loop3A_203 = vector.broadcast %parallel_loop3A_202 : i32 to vector<16xi32>
        %parallel_loop3A_204 = arith.shrsi %parallel_loop3A_199, %parallel_loop3A_203 : vector<16xi32>
        %parallel_loop3A_205 = arith.constant 16383 : i32
        %parallel_loop3A_206 = vector.broadcast %parallel_loop3A_205 : i32 to vector<16xi32>
        %parallel_loop3A_207 = arith.andi %parallel_loop3A_199, %parallel_loop3A_206 : vector<16xi32>
        %parallel_loop3A_208 = tpu.vector_load_idx %arg8[%parallel_loop3A_207] : memref<16384xf32, #tpu.memory_space<vmem>>[vector<16xi32>], vector<16xf32>,
        %parallel_loop3A_209 = arith.mulf %parallel_loop3A_208, %parallel_loop3A_201 : vector<16xf32>
        tpu.vector_store_idx %arg11[%parallel_loop3A_204], %parallel_loop3A_209 {add = true} : memref<16384xf32, #tpu.memory_space<vmem>>[vector<16xi32>], vector<16xf32>,
        %parallel_loop3A_210 = tpu.vector_load_idx %arg9[%parallel_loop3A_207] : memref<16384xf32, #tpu.memory_space<vmem>>[vector<16xi32>], vector<16xf32>,
        %parallel_loop3A_211 = arith.mulf %parallel_loop3A_210, %parallel_loop3A_201 : vector<16xf32>
        tpu.vector_store_idx %arg12[%parallel_loop3A_204], %parallel_loop3A_211 {add = true} : memref<16384xf32, #tpu.memory_space<vmem>>[vector<16xi32>], vector<16xf32>,
        %parallel_loop3A_212 = tpu.vector_load_idx %arg10[%parallel_loop3A_207] : memref<16384xf32, #tpu.memory_space<vmem>>[vector<16xi32>], vector<16xf32>,
        %parallel_loop3A_213 = arith.mulf %parallel_loop3A_212, %parallel_loop3A_201 : vector<16xf32>
        tpu.vector_store_idx %arg13[%parallel_loop3A_204], %parallel_loop3A_213 {add = true} : memref<16384xf32, #tpu.memory_space<vmem>>[vector<16xi32>], vector<16xf32>,
      } {sc.loop_unroll_factor = 4 : i64, sc.parallel_access}
      %lt3A = arith.constant 32 : i32
      %lt3A_181 = arith.cmpi slt, %scan3A_157, %lt3A : i32
      %convert_element_type3A = arith.extui %lt3A_181 : i1 to i32
      %cond3A = arith.constant 0 : i32
      %cond3A_182 = arith.cmpi ne, %convert_element_type3A, %cond3A : i32
      scf.if %cond3A_182 {
        %add3A_197 = arith.constant 2 : i32
        %add3A_198 = arith.addi %mul3A_160, %add3A_197 : i32
        %mul3A_199 = arith.constant 4096 : i32
        %mul3A_200 = arith.muli %add3A_198, %mul3A_199 : i32
        %dma_start3A_201 = tpu.memref_slice %arg3[%mul3A_200] : memref<270336xi32, #tpu.memory_space<hbm>> -> memref<4096xi32, #tpu.memory_space<hbm>>
        %dma_start3A_202 = tpu.memref_slice %arg3[%mul3A_200] : memref<270336xi32, #tpu.memory_space<hbm>> -> memref<4096xi32, #tpu.memory_space<hbm>>
        tpu.enqueue_dma source(%dma_start3A_202 : memref<4096xi32, #tpu.memory_space<hbm>>) target(%arg14 : memref<4096xi32, #tpu.memory_space<vmem>>) target_semaphore(%arg20 : memref<!tpu.dma_semaphore, #tpu.memory_space<semaphore_mem>>)
        %mul3A_203 = arith.constant 4096 : i32
        %mul3A_204 = arith.muli %add3A_198, %mul3A_203 : i32
        %dma_start3A_205 = tpu.memref_slice %arg4[%mul3A_204] : memref<270336xf32, #tpu.memory_space<hbm>> -> memref<4096xf32, #tpu.memory_space<hbm>>
        %dma_start3A_206 = tpu.memref_slice %arg4[%mul3A_204] : memref<270336xf32, #tpu.memory_space<hbm>> -> memref<4096xf32, #tpu.memory_space<hbm>>
        tpu.enqueue_dma source(%dma_start3A_206 : memref<4096xf32, #tpu.memory_space<hbm>>) target(%arg15 : memref<4096xf32, #tpu.memory_space<vmem>>) target_semaphore(%arg20 : memref<!tpu.dma_semaphore, #tpu.memory_space<semaphore_mem>>)
      } else {
      }
      %add3A_183 = arith.constant 1 : i32
      %add3A_184 = arith.addi %mul3A_160, %add3A_183 : i32
      %mul3A_185 = arith.constant 4096 : i32
      %mul3A_186 = arith.muli %add3A_184, %mul3A_185 : i32
      %dma_wait3A_187 = tpu.memref_slice %arg3[%mul3A_186] : memref<270336xi32, #tpu.memory_space<hbm>> -> memref<4096xi32, #tpu.memory_space<hbm>>
      %dma_wait3A_188 = tpu.memref_slice %arg3[%mul3A_186] : memref<270336xi32, #tpu.memory_space<hbm>> -> memref<4096xi32, #tpu.memory_space<hbm>>
      tpu.wait_dma2 semaphore(%arg21 : memref<!tpu.dma_semaphore, #tpu.memory_space<semaphore_mem>>) src(%dma_wait3A_188 : memref<4096xi32, #tpu.memory_space<hbm>>) dst(%arg16 : memref<4096xi32, #tpu.memory_space<vmem>>)
      %mul3A_189 = arith.constant 4096 : i32
      %mul3A_190 = arith.muli %add3A_184, %mul3A_189 : i32
      %dma_wait3A_191 = tpu.memref_slice %arg4[%mul3A_190] : memref<270336xf32, #tpu.memory_space<hbm>> -> memref<4096xf32, #tpu.memory_space<hbm>>
      %dma_wait3A_192 = tpu.memref_slice %arg4[%mul3A_190] : memref<270336xf32, #tpu.memory_space<hbm>> -> memref<4096xf32, #tpu.memory_space<hbm>>
      tpu.wait_dma2 semaphore(%arg21 : memref<!tpu.dma_semaphore, #tpu.memory_space<semaphore_mem>>) src(%dma_wait3A_192 : memref<4096xf32, #tpu.memory_space<hbm>>) dst(%arg17 : memref<4096xf32, #tpu.memory_space<vmem>>)
      %parallel_loop3A_193 = arith.constant 0 : i32
      %parallel_loop3A_194 = arith.constant 4096 : i32
      %parallel_loop3A_195 = arith.constant 16 : i32
      scf.for %parallel_loop3A_197 = %parallel_loop3A_193 to %parallel_loop3A_194 step %parallel_loop3A_195  : i32 {
        %parallel_loop3A_198 = arith.index_cast %parallel_loop3A_197 : i32 to index
        %parallel_loop3A_199 = tpu.vector_load %arg16[%parallel_loop3A_198] {strides = array<i32>} : memref<4096xi32, #tpu.memory_space<vmem>>, vector<16xi32>,
        %parallel_loop3A_200 = arith.index_cast %parallel_loop3A_197 : i32 to index
        %parallel_loop3A_201 = tpu.vector_load %arg17[%parallel_loop3A_200] {strides = array<i32>} : memref<4096xf32, #tpu.memory_space<vmem>>, vector<16xf32>,
        %parallel_loop3A_202 = arith.constant 14 : i32
        %parallel_loop3A_203 = vector.broadcast %parallel_loop3A_202 : i32 to vector<16xi32>
        %parallel_loop3A_204 = arith.shrsi %parallel_loop3A_199, %parallel_loop3A_203 : vector<16xi32>
        %parallel_loop3A_205 = arith.constant 16383 : i32
        %parallel_loop3A_206 = vector.broadcast %parallel_loop3A_205 : i32 to vector<16xi32>
        %parallel_loop3A_207 = arith.andi %parallel_loop3A_199, %parallel_loop3A_206 : vector<16xi32>
        %parallel_loop3A_208 = tpu.vector_load_idx %arg8[%parallel_loop3A_207] : memref<16384xf32, #tpu.memory_space<vmem>>[vector<16xi32>], vector<16xf32>,
        %parallel_loop3A_209 = arith.mulf %parallel_loop3A_208, %parallel_loop3A_201 : vector<16xf32>
        tpu.vector_store_idx %arg11[%parallel_loop3A_204], %parallel_loop3A_209 {add = true} : memref<16384xf32, #tpu.memory_space<vmem>>[vector<16xi32>], vector<16xf32>,
        %parallel_loop3A_210 = tpu.vector_load_idx %arg9[%parallel_loop3A_207] : memref<16384xf32, #tpu.memory_space<vmem>>[vector<16xi32>], vector<16xf32>,
        %parallel_loop3A_211 = arith.mulf %parallel_loop3A_210, %parallel_loop3A_201 : vector<16xf32>
        tpu.vector_store_idx %arg12[%parallel_loop3A_204], %parallel_loop3A_211 {add = true} : memref<16384xf32, #tpu.memory_space<vmem>>[vector<16xi32>], vector<16xf32>,
        %parallel_loop3A_212 = tpu.vector_load_idx %arg10[%parallel_loop3A_207] : memref<16384xf32, #tpu.memory_space<vmem>>[vector<16xi32>], vector<16xf32>,
        %parallel_loop3A_213 = arith.mulf %parallel_loop3A_212, %parallel_loop3A_201 : vector<16xf32>
        tpu.vector_store_idx %arg13[%parallel_loop3A_204], %parallel_loop3A_213 {add = true} : memref<16384xf32, #tpu.memory_space<vmem>>[vector<16xi32>], vector<16xf32>,
      } {sc.loop_unroll_factor = 4 : i64, sc.parallel_access}
      %scan3A_196 = arith.constant 0 : i32
      scf.yield %scan3A_196 : i32
    }
    %scan3A_50 = arith.constant 33 : i32
    %add3A_51 = arith.constant 0 : i32
    %add3A_52 = arith.addi %mul3A_2, %add3A_51 : i32
    "tpu.region"() ({
      %run_scoped3A = tpu.sem_alloc : memref<!tpu.dma_semaphore, #tpu.memory_space<semaphore_mem>>
      %dma_start3A_157 = arith.constant 0 : i32
      %dma_start3A_158 = tpu.memref_slice %arg7[%add3A_52, %dma_start3A_157] : memref<256x16384xf32, #tpu.memory_space<hbm>> -> memref<1x16384xf32, #tpu.memory_space<hbm>>
      %dma_start3A_159 = tpu.memref_squeeze %dma_start3A_158 : memref<1x16384xf32, #tpu.memory_space<hbm>> -> memref<16384xf32, #tpu.memory_space<hbm>>
      %dma_start3A_160 = arith.constant 0 : i32
      %dma_start3A_161 = tpu.memref_slice %arg7[%add3A_52, %dma_start3A_160] : memref<256x16384xf32, #tpu.memory_space<hbm>> -> memref<1x16384xf32, #tpu.memory_space<hbm>>
      %dma_start3A_162 = tpu.memref_squeeze %dma_start3A_161 : memref<1x16384xf32, #tpu.memory_space<hbm>> -> memref<16384xf32, #tpu.memory_space<hbm>>
      tpu.enqueue_dma source(%arg11 : memref<16384xf32, #tpu.memory_space<vmem>>) target(%dma_start3A_162 : memref<16384xf32, #tpu.memory_space<hbm>>) target_semaphore(%run_scoped3A : memref<!tpu.dma_semaphore, #tpu.memory_space<semaphore_mem>>)
      %dma_wait3A = arith.constant 0 : i32
      %dma_wait3A_163 = tpu.memref_slice %arg7[%add3A_52, %dma_wait3A] : memref<256x16384xf32, #tpu.memory_space<hbm>> -> memref<1x16384xf32, #tpu.memory_space<hbm>>
      %dma_wait3A_164 = tpu.memref_squeeze %dma_wait3A_163 : memref<1x16384xf32, #tpu.memory_space<hbm>> -> memref<16384xf32, #tpu.memory_space<hbm>>
      %dma_wait3A_165 = arith.constant 0 : i32
      %dma_wait3A_166 = tpu.memref_slice %arg7[%add3A_52, %dma_wait3A_165] : memref<256x16384xf32, #tpu.memory_space<hbm>> -> memref<1x16384xf32, #tpu.memory_space<hbm>>
      %dma_wait3A_167 = tpu.memref_squeeze %dma_wait3A_166 : memref<1x16384xf32, #tpu.memory_space<hbm>> -> memref<16384xf32, #tpu.memory_space<hbm>>
      tpu.wait_dma2 semaphore(%run_scoped3A : memref<!tpu.dma_semaphore, #tpu.memory_space<semaphore_mem>>) src(%arg11 : memref<16384xf32, #tpu.memory_space<vmem>>) dst(%dma_wait3A_167 : memref<16384xf32, #tpu.memory_space<hbm>>)
      tpu.yield
    }) : () -> ()
    %add3A_53 = arith.constant 1 : i32
    %add3A_54 = arith.addi %mul3A_2, %add3A_53 : i32
    "tpu.region"() ({
      %run_scoped3A = tpu.sem_alloc : memref<!tpu.dma_semaphore, #tpu.memory_space<semaphore_mem>>
      %dma_start3A_157 = arith.constant 0 : i32
      %dma_start3A_158 = tpu.memref_slice %arg7[%add3A_54, %dma_start3A_157] : memref<256x16384xf32, #tpu.memory_space<hbm>> -> memref<1x16384xf32, #tpu.memory_space<hbm>>
      %dma_start3A_159 = tpu.memref_squeeze %dma_start3A_158 : memref<1x16384xf32, #tpu.memory_space<hbm>> -> memref<16384xf32, #tpu.memory_space<hbm>>
      %dma_start3A_160 = arith.constant 0 : i32
      %dma_start3A_161 = tpu.memref_slice %arg7[%add3A_54, %dma_start3A_160] : memref<256x16384xf32, #tpu.memory_space<hbm>> -> memref<1x16384xf32, #tpu.memory_space<hbm>>
      %dma_start3A_162 = tpu.memref_squeeze %dma_start3A_161 : memref<1x16384xf32, #tpu.memory_space<hbm>> -> memref<16384xf32, #tpu.memory_space<hbm>>
      tpu.enqueue_dma source(%arg12 : memref<16384xf32, #tpu.memory_space<vmem>>) target(%dma_start3A_162 : memref<16384xf32, #tpu.memory_space<hbm>>) target_semaphore(%run_scoped3A : memref<!tpu.dma_semaphore, #tpu.memory_space<semaphore_mem>>)
      %dma_wait3A = arith.constant 0 : i32
      %dma_wait3A_163 = tpu.memref_slice %arg7[%add3A_54, %dma_wait3A] : memref<256x16384xf32, #tpu.memory_space<hbm>> -> memref<1x16384xf32, #tpu.memory_space<hbm>>
      %dma_wait3A_164 = tpu.memref_squeeze %dma_wait3A_163 : memref<1x16384xf32, #tpu.memory_space<hbm>> -> memref<16384xf32, #tpu.memory_space<hbm>>
      %dma_wait3A_165 = arith.constant 0 : i32
      %dma_wait3A_166 = tpu.memref_slice %arg7[%add3A_54, %dma_wait3A_165] : memref<256x16384xf32, #tpu.memory_space<hbm>> -> memref<1x16384xf32, #tpu.memory_space<hbm>>
      %dma_wait3A_167 = tpu.memref_squeeze %dma_wait3A_166 : memref<1x16384xf32, #tpu.memory_space<hbm>> -> memref<16384xf32, #tpu.memory_space<hbm>>
      tpu.wait_dma2 semaphore(%run_scoped3A : memref<!tpu.dma_semaphore, #tpu.memory_space<semaphore_mem>>) src(%arg12 : memref<16384xf32, #tpu.memory_space<vmem>>) dst(%dma_wait3A_167 : memref<16384xf32, #tpu.memory_space<hbm>>)
      tpu.yield
    }) : () -> ()
    %add3A_55 = arith.constant 2 : i32
    %add3A_56 = arith.addi %mul3A_2, %add3A_55 : i32
    "tpu.region"() ({
      %run_scoped3A = tpu.sem_alloc : memref<!tpu.dma_semaphore, #tpu.memory_space<semaphore_mem>>
      %dma_start3A_157 = arith.constant 0 : i32
      %dma_start3A_158 = tpu.memref_slice %arg7[%add3A_56, %dma_start3A_157] : memref<256x16384xf32, #tpu.memory_space<hbm>> -> memref<1x16384xf32, #tpu.memory_space<hbm>>
      %dma_start3A_159 = tpu.memref_squeeze %dma_start3A_158 : memref<1x16384xf32, #tpu.memory_space<hbm>> -> memref<16384xf32, #tpu.memory_space<hbm>>
      %dma_start3A_160 = arith.constant 0 : i32
      %dma_start3A_161 = tpu.memref_slice %arg7[%add3A_56, %dma_start3A_160] : memref<256x16384xf32, #tpu.memory_space<hbm>> -> memref<1x16384xf32, #tpu.memory_space<hbm>>
      %dma_start3A_162 = tpu.memref_squeeze %dma_start3A_161 : memref<1x16384xf32, #tpu.memory_space<hbm>> -> memref<16384xf32, #tpu.memory_space<hbm>>
      tpu.enqueue_dma source(%arg13 : memref<16384xf32, #tpu.memory_space<vmem>>) target(%dma_start3A_162 : memref<16384xf32, #tpu.memory_space<hbm>>) target_semaphore(%run_scoped3A : memref<!tpu.dma_semaphore, #tpu.memory_space<semaphore_mem>>)
      %dma_wait3A = arith.constant 0 : i32
      %dma_wait3A_163 = tpu.memref_slice %arg7[%add3A_56, %dma_wait3A] : memref<256x16384xf32, #tpu.memory_space<hbm>> -> memref<1x16384xf32, #tpu.memory_space<hbm>>
      %dma_wait3A_164 = tpu.memref_squeeze %dma_wait3A_163 : memref<1x16384xf32, #tpu.memory_space<hbm>> -> memref<16384xf32, #tpu.memory_space<hbm>>
      %dma_wait3A_165 = arith.constant 0 : i32
      %dma_wait3A_166 = tpu.memref_slice %arg7[%add3A_56, %dma_wait3A_165] : memref<256x16384xf32, #tpu.memory_space<hbm>> -> memref<1x16384xf32, #tpu.memory_space<hbm>>
      %dma_wait3A_167 = tpu.memref_squeeze %dma_wait3A_166 : memref<1x16384xf32, #tpu.memory_space<hbm>> -> memref<16384xf32, #tpu.memory_space<hbm>>
      tpu.wait_dma2 semaphore(%run_scoped3A : memref<!tpu.dma_semaphore, #tpu.memory_space<semaphore_mem>>) src(%arg13 : memref<16384xf32, #tpu.memory_space<vmem>>) dst(%dma_wait3A_167 : memref<16384xf32, #tpu.memory_space<hbm>>)
      tpu.yield
    }) : () -> ()
    %dma_start3A_57 = arith.constant 0 : i32
    %dma_start3A_58 = tpu.memref_slice %arg3[%dma_start3A_57] : memref<270336xi32, #tpu.memory_space<hbm>> -> memref<4096xi32, #tpu.memory_space<hbm>>
    %dma_start3A_59 = arith.constant 0 : i32
    %dma_start3A_60 = tpu.memref_slice %arg3[%dma_start3A_59] : memref<270336xi32, #tpu.memory_space<hbm>> -> memref<4096xi32, #tpu.memory_space<hbm>>
    tpu.enqueue_dma source(%dma_start3A_60 : memref<4096xi32, #tpu.memory_space<hbm>>) target(%arg14 : memref<4096xi32, #tpu.memory_space<vmem>>) target_semaphore(%arg20 : memref<!tpu.dma_semaphore, #tpu.memory_space<semaphore_mem>>)
    %dma_start3A_61 = arith.constant 0 : i32
    %dma_start3A_62 = tpu.memref_slice %arg4[%dma_start3A_61] : memref<270336xf32, #tpu.memory_space<hbm>> -> memref<4096xf32, #tpu.memory_space<hbm>>
    %dma_start3A_63 = arith.constant 0 : i32
    %dma_start3A_64 = tpu.memref_slice %arg4[%dma_start3A_63] : memref<270336xf32, #tpu.memory_space<hbm>> -> memref<4096xf32, #tpu.memory_space<hbm>>
    tpu.enqueue_dma source(%dma_start3A_64 : memref<4096xf32, #tpu.memory_space<hbm>>) target(%arg15 : memref<4096xf32, #tpu.memory_space<vmem>>) target_semaphore(%arg20 : memref<!tpu.dma_semaphore, #tpu.memory_space<semaphore_mem>>)
    %add3A_65 = arith.constant 3 : i32
    %add3A_66 = arith.addi %mul3A_2, %add3A_65 : i32
    "tpu.region"() ({
      %run_scoped3A = tpu.sem_alloc : memref<!tpu.dma_semaphore, #tpu.memory_space<semaphore_mem>>
      %dma_start3A_157 = arith.constant 0 : i32
      %dma_start3A_158 = tpu.memref_slice %arg2[%add3A_66, %dma_start3A_157] : memref<256x16384xf32, #tpu.memory_space<hbm>> -> memref<1x16384xf32, #tpu.memory_space<hbm>>
      %dma_start3A_159 = tpu.memref_squeeze %dma_start3A_158 : memref<1x16384xf32, #tpu.memory_space<hbm>> -> memref<16384xf32, #tpu.memory_space<hbm>>
      %dma_start3A_160 = arith.constant 0 : i32
      %dma_start3A_161 = tpu.memref_slice %arg2[%add3A_66, %dma_start3A_160] : memref<256x16384xf32, #tpu.memory_space<hbm>> -> memref<1x16384xf32, #tpu.memory_space<hbm>>
      %dma_start3A_162 = tpu.memref_squeeze %dma_start3A_161 : memref<1x16384xf32, #tpu.memory_space<hbm>> -> memref<16384xf32, #tpu.memory_space<hbm>>
      tpu.enqueue_dma source(%dma_start3A_162 : memref<16384xf32, #tpu.memory_space<hbm>>) target(%arg8 : memref<16384xf32, #tpu.memory_space<vmem>>) target_semaphore(%run_scoped3A : memref<!tpu.dma_semaphore, #tpu.memory_space<semaphore_mem>>)
      %dma_wait3A = arith.constant 0 : i32
      %dma_wait3A_163 = tpu.memref_slice %arg2[%add3A_66, %dma_wait3A] : memref<256x16384xf32, #tpu.memory_space<hbm>> -> memref<1x16384xf32, #tpu.memory_space<hbm>>
      %dma_wait3A_164 = tpu.memref_squeeze %dma_wait3A_163 : memref<1x16384xf32, #tpu.memory_space<hbm>> -> memref<16384xf32, #tpu.memory_space<hbm>>
      %dma_wait3A_165 = arith.constant 0 : i32
      %dma_wait3A_166 = tpu.memref_slice %arg2[%add3A_66, %dma_wait3A_165] : memref<256x16384xf32, #tpu.memory_space<hbm>> -> memref<1x16384xf32, #tpu.memory_space<hbm>>
      %dma_wait3A_167 = tpu.memref_squeeze %dma_wait3A_166 : memref<1x16384xf32, #tpu.memory_space<hbm>> -> memref<16384xf32, #tpu.memory_space<hbm>>
      tpu.wait_dma2 semaphore(%run_scoped3A : memref<!tpu.dma_semaphore, #tpu.memory_space<semaphore_mem>>) src(%dma_wait3A_167 : memref<16384xf32, #tpu.memory_space<hbm>>) dst(%arg8 : memref<16384xf32, #tpu.memory_space<vmem>>)
      tpu.yield
    }) : () -> ()
    %parallel_loop3A_67 = arith.constant 0 : i32
    %parallel_loop3A_68 = arith.constant 16384 : i32
    %parallel_loop3A_69 = arith.constant 16 : i32
    scf.for %parallel_loop3A_157 = %parallel_loop3A_67 to %parallel_loop3A_68 step %parallel_loop3A_69  : i32 {
      %parallel_loop3A_158 = arith.constant 0.000000e+00 : f32
      %parallel_loop3A_159 = vector.broadcast %parallel_loop3A_158 : f32 to vector<16xf32>
      %parallel_loop3A_160 = arith.index_cast %parallel_loop3A_157 : i32 to index
      %parallel_loop3A_161 = tpu.vector_load %arg11[%parallel_loop3A_160] {strides = array<i32>} : memref<16384xf32, #tpu.memory_space<vmem>>, vector<16xf32>,
      tpu.vector_store %arg11[%parallel_loop3A_160], %parallel_loop3A_159 {strides = array<i32>} : memref<16384xf32, #tpu.memory_space<vmem>>, vector<16xf32>,
    } {sc.loop_unroll_factor = 4 : i64, sc.parallel_access}
    %scan3A_70 = arith.constant 0 : i32
    %scan3A_71 = arith.constant 0 : i32
    %scan3A_72 = arith.constant 103 : i32
    %scan3A_73 = arith.addi %scan3A_71, %scan3A_72 : i32
    %scan3A_74 = arith.constant 1 : i32
    %scan3A_75 = scf.for %scan3A_157 = %scan3A_71 to %scan3A_73 step %scan3A_74 iter_args(%scan3A_158 = %scan3A_70) -> (i32)  : i32 {
      %mul3A_159 = arith.constant 16 : i32
      %mul3A_160 = arith.muli %scan3A_157, %mul3A_159 : i32
      %get3A = arith.index_cast %mul3A_160 : i32 to index
      %get3A_161 = tpu.vector_load %arg18[%get3A] {strides = array<i32>} : memref<1648xi32, #tpu.memory_space<vmem>>, vector<16xi32>,
      %mul3A_162 = arith.constant 16 : i32
      %mul3A_163 = arith.muli %scan3A_157, %mul3A_162 : i32
      %get3A_164 = arith.index_cast %mul3A_163 : i32 to index
      %get3A_165 = tpu.vector_load %arg19[%get3A_164] {strides = array<i32>} : memref<1648xf32, #tpu.memory_space<vmem>>, vector<16xf32>,
      tpu.vector_store_idx %arg11[%get3A_161], %get3A_165 {add = true} : memref<16384xf32, #tpu.memory_space<vmem>>[vector<16xi32>], vector<16xf32>,
      %scan3A_166 = arith.constant 0 : i32
      scf.yield %scan3A_166 : i32
    }
    %scan3A_76 = arith.constant 103 : i32
    %add3A_77 = arith.constant 4 : i32
    %add3A_78 = arith.addi %mul3A_2, %add3A_77 : i32
    "tpu.region"() ({
      %run_scoped3A = tpu.sem_alloc : memref<!tpu.dma_semaphore, #tpu.memory_space<semaphore_mem>>
      %dma_start3A_157 = arith.constant 0 : i32
      %dma_start3A_158 = tpu.memref_slice %arg2[%add3A_78, %dma_start3A_157] : memref<256x16384xf32, #tpu.memory_space<hbm>> -> memref<1x16384xf32, #tpu.memory_space<hbm>>
      %dma_start3A_159 = tpu.memref_squeeze %dma_start3A_158 : memref<1x16384xf32, #tpu.memory_space<hbm>> -> memref<16384xf32, #tpu.memory_space<hbm>>
      %dma_start3A_160 = arith.constant 0 : i32
      %dma_start3A_161 = tpu.memref_slice %arg2[%add3A_78, %dma_start3A_160] : memref<256x16384xf32, #tpu.memory_space<hbm>> -> memref<1x16384xf32, #tpu.memory_space<hbm>>
      %dma_start3A_162 = tpu.memref_squeeze %dma_start3A_161 : memref<1x16384xf32, #tpu.memory_space<hbm>> -> memref<16384xf32, #tpu.memory_space<hbm>>
      tpu.enqueue_dma source(%dma_start3A_162 : memref<16384xf32, #tpu.memory_space<hbm>>) target(%arg9 : memref<16384xf32, #tpu.memory_space<vmem>>) target_semaphore(%run_scoped3A : memref<!tpu.dma_semaphore, #tpu.memory_space<semaphore_mem>>)
      %dma_wait3A = arith.constant 0 : i32
      %dma_wait3A_163 = tpu.memref_slice %arg2[%add3A_78, %dma_wait3A] : memref<256x16384xf32, #tpu.memory_space<hbm>> -> memref<1x16384xf32, #tpu.memory_space<hbm>>
      %dma_wait3A_164 = tpu.memref_squeeze %dma_wait3A_163 : memref<1x16384xf32, #tpu.memory_space<hbm>> -> memref<16384xf32, #tpu.memory_space<hbm>>
      %dma_wait3A_165 = arith.constant 0 : i32
      %dma_wait3A_166 = tpu.memref_slice %arg2[%add3A_78, %dma_wait3A_165] : memref<256x16384xf32, #tpu.memory_space<hbm>> -> memref<1x16384xf32, #tpu.memory_space<hbm>>
      %dma_wait3A_167 = tpu.memref_squeeze %dma_wait3A_166 : memref<1x16384xf32, #tpu.memory_space<hbm>> -> memref<16384xf32, #tpu.memory_space<hbm>>
      tpu.wait_dma2 semaphore(%run_scoped3A : memref<!tpu.dma_semaphore, #tpu.memory_space<semaphore_mem>>) src(%dma_wait3A_167 : memref<16384xf32, #tpu.memory_space<hbm>>) dst(%arg9 : memref<16384xf32, #tpu.memory_space<vmem>>)
      tpu.yield
    }) : () -> ()
    %parallel_loop3A_79 = arith.constant 0 : i32
    %parallel_loop3A_80 = arith.constant 16384 : i32
    %parallel_loop3A_81 = arith.constant 16 : i32
    scf.for %parallel_loop3A_157 = %parallel_loop3A_79 to %parallel_loop3A_80 step %parallel_loop3A_81  : i32 {
      %parallel_loop3A_158 = arith.constant 0.000000e+00 : f32
      %parallel_loop3A_159 = vector.broadcast %parallel_loop3A_158 : f32 to vector<16xf32>
      %parallel_loop3A_160 = arith.index_cast %parallel_loop3A_157 : i32 to index
      %parallel_loop3A_161 = tpu.vector_load %arg12[%parallel_loop3A_160] {strides = array<i32>} : memref<16384xf32, #tpu.memory_space<vmem>>, vector<16xf32>,
      tpu.vector_store %arg12[%parallel_loop3A_160], %parallel_loop3A_159 {strides = array<i32>} : memref<16384xf32, #tpu.memory_space<vmem>>, vector<16xf32>,
    } {sc.loop_unroll_factor = 4 : i64, sc.parallel_access}
    %scan3A_82 = arith.constant 0 : i32
    %scan3A_83 = arith.constant 0 : i32
    %scan3A_84 = arith.constant 103 : i32
    %scan3A_85 = arith.addi %scan3A_83, %scan3A_84 : i32
    %scan3A_86 = arith.constant 1 : i32
    %scan3A_87 = scf.for %scan3A_157 = %scan3A_83 to %scan3A_85 step %scan3A_86 iter_args(%scan3A_158 = %scan3A_82) -> (i32)  : i32 {
      %mul3A_159 = arith.constant 16 : i32
      %mul3A_160 = arith.muli %scan3A_157, %mul3A_159 : i32
      %get3A = arith.index_cast %mul3A_160 : i32 to index
      %get3A_161 = tpu.vector_load %arg18[%get3A] {strides = array<i32>} : memref<1648xi32, #tpu.memory_space<vmem>>, vector<16xi32>,
      %mul3A_162 = arith.constant 16 : i32
      %mul3A_163 = arith.muli %scan3A_157, %mul3A_162 : i32
      %get3A_164 = arith.index_cast %mul3A_163 : i32 to index
      %get3A_165 = tpu.vector_load %arg19[%get3A_164] {strides = array<i32>} : memref<1648xf32, #tpu.memory_space<vmem>>, vector<16xf32>,
      tpu.vector_store_idx %arg12[%get3A_161], %get3A_165 {add = true} : memref<16384xf32, #tpu.memory_space<vmem>>[vector<16xi32>], vector<16xf32>,
      %scan3A_166 = arith.constant 0 : i32
      scf.yield %scan3A_166 : i32
    }
    %scan3A_88 = arith.constant 103 : i32
    %add3A_89 = arith.constant 5 : i32
    %add3A_90 = arith.addi %mul3A_2, %add3A_89 : i32
    "tpu.region"() ({
      %run_scoped3A = tpu.sem_alloc : memref<!tpu.dma_semaphore, #tpu.memory_space<semaphore_mem>>
      %dma_start3A_157 = arith.constant 0 : i32
      %dma_start3A_158 = tpu.memref_slice %arg2[%add3A_90, %dma_start3A_157] : memref<256x16384xf32, #tpu.memory_space<hbm>> -> memref<1x16384xf32, #tpu.memory_space<hbm>>
      %dma_start3A_159 = tpu.memref_squeeze %dma_start3A_158 : memref<1x16384xf32, #tpu.memory_space<hbm>> -> memref<16384xf32, #tpu.memory_space<hbm>>
      %dma_start3A_160 = arith.constant 0 : i32
      %dma_start3A_161 = tpu.memref_slice %arg2[%add3A_90, %dma_start3A_160] : memref<256x16384xf32, #tpu.memory_space<hbm>> -> memref<1x16384xf32, #tpu.memory_space<hbm>>
      %dma_start3A_162 = tpu.memref_squeeze %dma_start3A_161 : memref<1x16384xf32, #tpu.memory_space<hbm>> -> memref<16384xf32, #tpu.memory_space<hbm>>
      tpu.enqueue_dma source(%dma_start3A_162 : memref<16384xf32, #tpu.memory_space<hbm>>) target(%arg10 : memref<16384xf32, #tpu.memory_space<vmem>>) target_semaphore(%run_scoped3A : memref<!tpu.dma_semaphore, #tpu.memory_space<semaphore_mem>>)
      %dma_wait3A = arith.constant 0 : i32
      %dma_wait3A_163 = tpu.memref_slice %arg2[%add3A_90, %dma_wait3A] : memref<256x16384xf32, #tpu.memory_space<hbm>> -> memref<1x16384xf32, #tpu.memory_space<hbm>>
      %dma_wait3A_164 = tpu.memref_squeeze %dma_wait3A_163 : memref<1x16384xf32, #tpu.memory_space<hbm>> -> memref<16384xf32, #tpu.memory_space<hbm>>
      %dma_wait3A_165 = arith.constant 0 : i32
      %dma_wait3A_166 = tpu.memref_slice %arg2[%add3A_90, %dma_wait3A_165] : memref<256x16384xf32, #tpu.memory_space<hbm>> -> memref<1x16384xf32, #tpu.memory_space<hbm>>
      %dma_wait3A_167 = tpu.memref_squeeze %dma_wait3A_166 : memref<1x16384xf32, #tpu.memory_space<hbm>> -> memref<16384xf32, #tpu.memory_space<hbm>>
      tpu.wait_dma2 semaphore(%run_scoped3A : memref<!tpu.dma_semaphore, #tpu.memory_space<semaphore_mem>>) src(%dma_wait3A_167 : memref<16384xf32, #tpu.memory_space<hbm>>) dst(%arg10 : memref<16384xf32, #tpu.memory_space<vmem>>)
      tpu.yield
    }) : () -> ()
    %parallel_loop3A_91 = arith.constant 0 : i32
    %parallel_loop3A_92 = arith.constant 16384 : i32
    %parallel_loop3A_93 = arith.constant 16 : i32
    scf.for %parallel_loop3A_157 = %parallel_loop3A_91 to %parallel_loop3A_92 step %parallel_loop3A_93  : i32 {
      %parallel_loop3A_158 = arith.constant 0.000000e+00 : f32
      %parallel_loop3A_159 = vector.broadcast %parallel_loop3A_158 : f32 to vector<16xf32>
      %parallel_loop3A_160 = arith.index_cast %parallel_loop3A_157 : i32 to index
      %parallel_loop3A_161 = tpu.vector_load %arg13[%parallel_loop3A_160] {strides = array<i32>} : memref<16384xf32, #tpu.memory_space<vmem>>, vector<16xf32>,
      tpu.vector_store %arg13[%parallel_loop3A_160], %parallel_loop3A_159 {strides = array<i32>} : memref<16384xf32, #tpu.memory_space<vmem>>, vector<16xf32>,
    } {sc.loop_unroll_factor = 4 : i64, sc.parallel_access}
    %scan3A_94 = arith.constant 0 : i32
    %scan3A_95 = arith.constant 0 : i32
    %scan3A_96 = arith.constant 103 : i32
    %scan3A_97 = arith.addi %scan3A_95, %scan3A_96 : i32
    %scan3A_98 = arith.constant 1 : i32
    %scan3A_99 = scf.for %scan3A_157 = %scan3A_95 to %scan3A_97 step %scan3A_98 iter_args(%scan3A_158 = %scan3A_94) -> (i32)  : i32 {
      %mul3A_159 = arith.constant 16 : i32
      %mul3A_160 = arith.muli %scan3A_157, %mul3A_159 : i32
      %get3A = arith.index_cast %mul3A_160 : i32 to index
      %get3A_161 = tpu.vector_load %arg18[%get3A] {strides = array<i32>} : memref<1648xi32, #tpu.memory_space<vmem>>, vector<16xi32>,
      %mul3A_162 = arith.constant 16 : i32
      %mul3A_163 = arith.muli %scan3A_157, %mul3A_162 : i32
      %get3A_164 = arith.index_cast %mul3A_163 : i32 to index
      %get3A_165 = tpu.vector_load %arg19[%get3A_164] {strides = array<i32>} : memref<1648xf32, #tpu.memory_space<vmem>>, vector<16xf32>,
      tpu.vector_store_idx %arg13[%get3A_161], %get3A_165 {add = true} : memref<16384xf32, #tpu.memory_space<vmem>>[vector<16xi32>], vector<16xf32>,
      %scan3A_166 = arith.constant 0 : i32
      scf.yield %scan3A_166 : i32
    }
    %scan3A_100 = arith.constant 103 : i32
    %scan3A_101 = arith.constant 0 : i32
    %scan3A_102 = arith.constant 0 : i32
    %scan3A_103 = arith.constant 33 : i32
    %scan3A_104 = arith.addi %scan3A_102, %scan3A_103 : i32
    %scan3A_105 = arith.constant 1 : i32
    %scan3A_106 = scf.for %scan3A_157 = %scan3A_102 to %scan3A_104 step %scan3A_105 iter_args(%scan3A_158 = %scan3A_101) -> (i32)  : i32 {
      %mul3A_159 = arith.constant 2 : i32
      %mul3A_160 = arith.muli %mul3A_159, %scan3A_157 : i32
      %add3A_161 = arith.constant 1 : i32
      %add3A_162 = arith.addi %mul3A_160, %add3A_161 : i32
      %mul3A_163 = arith.constant 4096 : i32
      %mul3A_164 = arith.muli %add3A_162, %mul3A_163 : i32
      %dma_start3A_165 = tpu.memref_slice %arg3[%mul3A_164] : memref<270336xi32, #tpu.memory_space<hbm>> -> memref<4096xi32, #tpu.memory_space<hbm>>
      %dma_start3A_166 = tpu.memref_slice %arg3[%mul3A_164] : memref<270336xi32, #tpu.memory_space<hbm>> -> memref<4096xi32, #tpu.memory_space<hbm>>
      tpu.enqueue_dma source(%dma_start3A_166 : memref<4096xi32, #tpu.memory_space<hbm>>) target(%arg16 : memref<4096xi32, #tpu.memory_space<vmem>>) target_semaphore(%arg21 : memref<!tpu.dma_semaphore, #tpu.memory_space<semaphore_mem>>)
      %mul3A_167 = arith.constant 4096 : i32
      %mul3A_168 = arith.muli %add3A_162, %mul3A_167 : i32
      %dma_start3A_169 = tpu.memref_slice %arg4[%mul3A_168] : memref<270336xf32, #tpu.memory_space<hbm>> -> memref<4096xf32, #tpu.memory_space<hbm>>
      %dma_start3A_170 = tpu.memref_slice %arg4[%mul3A_168] : memref<270336xf32, #tpu.memory_space<hbm>> -> memref<4096xf32, #tpu.memory_space<hbm>>
      tpu.enqueue_dma source(%dma_start3A_170 : memref<4096xf32, #tpu.memory_space<hbm>>) target(%arg17 : memref<4096xf32, #tpu.memory_space<vmem>>) target_semaphore(%arg21 : memref<!tpu.dma_semaphore, #tpu.memory_space<semaphore_mem>>)
      %mul3A_171 = arith.constant 4096 : i32
      %mul3A_172 = arith.muli %mul3A_160, %mul3A_171 : i32
      %dma_wait3A = tpu.memref_slice %arg3[%mul3A_172] : memref<270336xi32, #tpu.memory_space<hbm>> -> memref<4096xi32, #tpu.memory_space<hbm>>
      %dma_wait3A_173 = tpu.memref_slice %arg3[%mul3A_172] : memref<270336xi32, #tpu.memory_space<hbm>> -> memref<4096xi32, #tpu.memory_space<hbm>>
      tpu.wait_dma2 semaphore(%arg20 : memref<!tpu.dma_semaphore, #tpu.memory_space<semaphore_mem>>) src(%dma_wait3A_173 : memref<4096xi32, #tpu.memory_space<hbm>>) dst(%arg14 : memref<4096xi32, #tpu.memory_space<vmem>>)
      %mul3A_174 = arith.constant 4096 : i32
      %mul3A_175 = arith.muli %mul3A_160, %mul3A_174 : i32
      %dma_wait3A_176 = tpu.memref_slice %arg4[%mul3A_175] : memref<270336xf32, #tpu.memory_space<hbm>> -> memref<4096xf32, #tpu.memory_space<hbm>>
      %dma_wait3A_177 = tpu.memref_slice %arg4[%mul3A_175] : memref<270336xf32, #tpu.memory_space<hbm>> -> memref<4096xf32, #tpu.memory_space<hbm>>
      tpu.wait_dma2 semaphore(%arg20 : memref<!tpu.dma_semaphore, #tpu.memory_space<semaphore_mem>>) src(%dma_wait3A_177 : memref<4096xf32, #tpu.memory_space<hbm>>) dst(%arg15 : memref<4096xf32, #tpu.memory_space<vmem>>)
      %parallel_loop3A_178 = arith.constant 0 : i32
      %parallel_loop3A_179 = arith.constant 4096 : i32
      %parallel_loop3A_180 = arith.constant 16 : i32
      scf.for %parallel_loop3A_197 = %parallel_loop3A_178 to %parallel_loop3A_179 step %parallel_loop3A_180  : i32 {
        %parallel_loop3A_198 = arith.index_cast %parallel_loop3A_197 : i32 to index
        %parallel_loop3A_199 = tpu.vector_load %arg14[%parallel_loop3A_198] {strides = array<i32>} : memref<4096xi32, #tpu.memory_space<vmem>>, vector<16xi32>,
        %parallel_loop3A_200 = arith.index_cast %parallel_loop3A_197 : i32 to index
        %parallel_loop3A_201 = tpu.vector_load %arg15[%parallel_loop3A_200] {strides = array<i32>} : memref<4096xf32, #tpu.memory_space<vmem>>, vector<16xf32>,
        %parallel_loop3A_202 = arith.constant 14 : i32
        %parallel_loop3A_203 = vector.broadcast %parallel_loop3A_202 : i32 to vector<16xi32>
        %parallel_loop3A_204 = arith.shrsi %parallel_loop3A_199, %parallel_loop3A_203 : vector<16xi32>
        %parallel_loop3A_205 = arith.constant 16383 : i32
        %parallel_loop3A_206 = vector.broadcast %parallel_loop3A_205 : i32 to vector<16xi32>
        %parallel_loop3A_207 = arith.andi %parallel_loop3A_199, %parallel_loop3A_206 : vector<16xi32>
        %parallel_loop3A_208 = tpu.vector_load_idx %arg8[%parallel_loop3A_207] : memref<16384xf32, #tpu.memory_space<vmem>>[vector<16xi32>], vector<16xf32>,
        %parallel_loop3A_209 = arith.mulf %parallel_loop3A_208, %parallel_loop3A_201 : vector<16xf32>
        tpu.vector_store_idx %arg11[%parallel_loop3A_204], %parallel_loop3A_209 {add = true} : memref<16384xf32, #tpu.memory_space<vmem>>[vector<16xi32>], vector<16xf32>,
        %parallel_loop3A_210 = tpu.vector_load_idx %arg9[%parallel_loop3A_207] : memref<16384xf32, #tpu.memory_space<vmem>>[vector<16xi32>], vector<16xf32>,
        %parallel_loop3A_211 = arith.mulf %parallel_loop3A_210, %parallel_loop3A_201 : vector<16xf32>
        tpu.vector_store_idx %arg12[%parallel_loop3A_204], %parallel_loop3A_211 {add = true} : memref<16384xf32, #tpu.memory_space<vmem>>[vector<16xi32>], vector<16xf32>,
        %parallel_loop3A_212 = tpu.vector_load_idx %arg10[%parallel_loop3A_207] : memref<16384xf32, #tpu.memory_space<vmem>>[vector<16xi32>], vector<16xf32>,
        %parallel_loop3A_213 = arith.mulf %parallel_loop3A_212, %parallel_loop3A_201 : vector<16xf32>
        tpu.vector_store_idx %arg13[%parallel_loop3A_204], %parallel_loop3A_213 {add = true} : memref<16384xf32, #tpu.memory_space<vmem>>[vector<16xi32>], vector<16xf32>,
      } {sc.loop_unroll_factor = 4 : i64, sc.parallel_access}
      %lt3A = arith.constant 32 : i32
      %lt3A_181 = arith.cmpi slt, %scan3A_157, %lt3A : i32
      %convert_element_type3A = arith.extui %lt3A_181 : i1 to i32
      %cond3A = arith.constant 0 : i32
      %cond3A_182 = arith.cmpi ne, %convert_element_type3A, %cond3A : i32
      scf.if %cond3A_182 {
        %add3A_197 = arith.constant 2 : i32
        %add3A_198 = arith.addi %mul3A_160, %add3A_197 : i32
        %mul3A_199 = arith.constant 4096 : i32
        %mul3A_200 = arith.muli %add3A_198, %mul3A_199 : i32
        %dma_start3A_201 = tpu.memref_slice %arg3[%mul3A_200] : memref<270336xi32, #tpu.memory_space<hbm>> -> memref<4096xi32, #tpu.memory_space<hbm>>
        %dma_start3A_202 = tpu.memref_slice %arg3[%mul3A_200] : memref<270336xi32, #tpu.memory_space<hbm>> -> memref<4096xi32, #tpu.memory_space<hbm>>
        tpu.enqueue_dma source(%dma_start3A_202 : memref<4096xi32, #tpu.memory_space<hbm>>) target(%arg14 : memref<4096xi32, #tpu.memory_space<vmem>>) target_semaphore(%arg20 : memref<!tpu.dma_semaphore, #tpu.memory_space<semaphore_mem>>)
        %mul3A_203 = arith.constant 4096 : i32
        %mul3A_204 = arith.muli %add3A_198, %mul3A_203 : i32
        %dma_start3A_205 = tpu.memref_slice %arg4[%mul3A_204] : memref<270336xf32, #tpu.memory_space<hbm>> -> memref<4096xf32, #tpu.memory_space<hbm>>
        %dma_start3A_206 = tpu.memref_slice %arg4[%mul3A_204] : memref<270336xf32, #tpu.memory_space<hbm>> -> memref<4096xf32, #tpu.memory_space<hbm>>
        tpu.enqueue_dma source(%dma_start3A_206 : memref<4096xf32, #tpu.memory_space<hbm>>) target(%arg15 : memref<4096xf32, #tpu.memory_space<vmem>>) target_semaphore(%arg20 : memref<!tpu.dma_semaphore, #tpu.memory_space<semaphore_mem>>)
      } else {
      }
      %add3A_183 = arith.constant 1 : i32
      %add3A_184 = arith.addi %mul3A_160, %add3A_183 : i32
      %mul3A_185 = arith.constant 4096 : i32
      %mul3A_186 = arith.muli %add3A_184, %mul3A_185 : i32
      %dma_wait3A_187 = tpu.memref_slice %arg3[%mul3A_186] : memref<270336xi32, #tpu.memory_space<hbm>> -> memref<4096xi32, #tpu.memory_space<hbm>>
      %dma_wait3A_188 = tpu.memref_slice %arg3[%mul3A_186] : memref<270336xi32, #tpu.memory_space<hbm>> -> memref<4096xi32, #tpu.memory_space<hbm>>
      tpu.wait_dma2 semaphore(%arg21 : memref<!tpu.dma_semaphore, #tpu.memory_space<semaphore_mem>>) src(%dma_wait3A_188 : memref<4096xi32, #tpu.memory_space<hbm>>) dst(%arg16 : memref<4096xi32, #tpu.memory_space<vmem>>)
      %mul3A_189 = arith.constant 4096 : i32
      %mul3A_190 = arith.muli %add3A_184, %mul3A_189 : i32
      %dma_wait3A_191 = tpu.memref_slice %arg4[%mul3A_190] : memref<270336xf32, #tpu.memory_space<hbm>> -> memref<4096xf32, #tpu.memory_space<hbm>>
      %dma_wait3A_192 = tpu.memref_slice %arg4[%mul3A_190] : memref<270336xf32, #tpu.memory_space<hbm>> -> memref<4096xf32, #tpu.memory_space<hbm>>
      tpu.wait_dma2 semaphore(%arg21 : memref<!tpu.dma_semaphore, #tpu.memory_space<semaphore_mem>>) src(%dma_wait3A_192 : memref<4096xf32, #tpu.memory_space<hbm>>) dst(%arg17 : memref<4096xf32, #tpu.memory_space<vmem>>)
      %parallel_loop3A_193 = arith.constant 0 : i32
      %parallel_loop3A_194 = arith.constant 4096 : i32
      %parallel_loop3A_195 = arith.constant 16 : i32
      scf.for %parallel_loop3A_197 = %parallel_loop3A_193 to %parallel_loop3A_194 step %parallel_loop3A_195  : i32 {
        %parallel_loop3A_198 = arith.index_cast %parallel_loop3A_197 : i32 to index
        %parallel_loop3A_199 = tpu.vector_load %arg16[%parallel_loop3A_198] {strides = array<i32>} : memref<4096xi32, #tpu.memory_space<vmem>>, vector<16xi32>,
        %parallel_loop3A_200 = arith.index_cast %parallel_loop3A_197 : i32 to index
        %parallel_loop3A_201 = tpu.vector_load %arg17[%parallel_loop3A_200] {strides = array<i32>} : memref<4096xf32, #tpu.memory_space<vmem>>, vector<16xf32>,
        %parallel_loop3A_202 = arith.constant 14 : i32
        %parallel_loop3A_203 = vector.broadcast %parallel_loop3A_202 : i32 to vector<16xi32>
        %parallel_loop3A_204 = arith.shrsi %parallel_loop3A_199, %parallel_loop3A_203 : vector<16xi32>
        %parallel_loop3A_205 = arith.constant 16383 : i32
        %parallel_loop3A_206 = vector.broadcast %parallel_loop3A_205 : i32 to vector<16xi32>
        %parallel_loop3A_207 = arith.andi %parallel_loop3A_199, %parallel_loop3A_206 : vector<16xi32>
        %parallel_loop3A_208 = tpu.vector_load_idx %arg8[%parallel_loop3A_207] : memref<16384xf32, #tpu.memory_space<vmem>>[vector<16xi32>], vector<16xf32>,
        %parallel_loop3A_209 = arith.mulf %parallel_loop3A_208, %parallel_loop3A_201 : vector<16xf32>
        tpu.vector_store_idx %arg11[%parallel_loop3A_204], %parallel_loop3A_209 {add = true} : memref<16384xf32, #tpu.memory_space<vmem>>[vector<16xi32>], vector<16xf32>,
        %parallel_loop3A_210 = tpu.vector_load_idx %arg9[%parallel_loop3A_207] : memref<16384xf32, #tpu.memory_space<vmem>>[vector<16xi32>], vector<16xf32>,
        %parallel_loop3A_211 = arith.mulf %parallel_loop3A_210, %parallel_loop3A_201 : vector<16xf32>
        tpu.vector_store_idx %arg12[%parallel_loop3A_204], %parallel_loop3A_211 {add = true} : memref<16384xf32, #tpu.memory_space<vmem>>[vector<16xi32>], vector<16xf32>,
        %parallel_loop3A_212 = tpu.vector_load_idx %arg10[%parallel_loop3A_207] : memref<16384xf32, #tpu.memory_space<vmem>>[vector<16xi32>], vector<16xf32>,
        %parallel_loop3A_213 = arith.mulf %parallel_loop3A_212, %parallel_loop3A_201 : vector<16xf32>
        tpu.vector_store_idx %arg13[%parallel_loop3A_204], %parallel_loop3A_213 {add = true} : memref<16384xf32, #tpu.memory_space<vmem>>[vector<16xi32>], vector<16xf32>,
      } {sc.loop_unroll_factor = 4 : i64, sc.parallel_access}
      %scan3A_196 = arith.constant 0 : i32
      scf.yield %scan3A_196 : i32
    }
    %scan3A_107 = arith.constant 33 : i32
    %add3A_108 = arith.constant 3 : i32
    %add3A_109 = arith.addi %mul3A_2, %add3A_108 : i32
    "tpu.region"() ({
      %run_scoped3A = tpu.sem_alloc : memref<!tpu.dma_semaphore, #tpu.memory_space<semaphore_mem>>
      %dma_start3A_157 = arith.constant 0 : i32
      %dma_start3A_158 = tpu.memref_slice %arg7[%add3A_109, %dma_start3A_157] : memref<256x16384xf32, #tpu.memory_space<hbm>> -> memref<1x16384xf32, #tpu.memory_space<hbm>>
      %dma_start3A_159 = tpu.memref_squeeze %dma_start3A_158 : memref<1x16384xf32, #tpu.memory_space<hbm>> -> memref<16384xf32, #tpu.memory_space<hbm>>
      %dma_start3A_160 = arith.constant 0 : i32
      %dma_start3A_161 = tpu.memref_slice %arg7[%add3A_109, %dma_start3A_160] : memref<256x16384xf32, #tpu.memory_space<hbm>> -> memref<1x16384xf32, #tpu.memory_space<hbm>>
      %dma_start3A_162 = tpu.memref_squeeze %dma_start3A_161 : memref<1x16384xf32, #tpu.memory_space<hbm>> -> memref<16384xf32, #tpu.memory_space<hbm>>
      tpu.enqueue_dma source(%arg11 : memref<16384xf32, #tpu.memory_space<vmem>>) target(%dma_start3A_162 : memref<16384xf32, #tpu.memory_space<hbm>>) target_semaphore(%run_scoped3A : memref<!tpu.dma_semaphore, #tpu.memory_space<semaphore_mem>>)
      %dma_wait3A = arith.constant 0 : i32
      %dma_wait3A_163 = tpu.memref_slice %arg7[%add3A_109, %dma_wait3A] : memref<256x16384xf32, #tpu.memory_space<hbm>> -> memref<1x16384xf32, #tpu.memory_space<hbm>>
      %dma_wait3A_164 = tpu.memref_squeeze %dma_wait3A_163 : memref<1x16384xf32, #tpu.memory_space<hbm>> -> memref<16384xf32, #tpu.memory_space<hbm>>
      %dma_wait3A_165 = arith.constant 0 : i32
      %dma_wait3A_166 = tpu.memref_slice %arg7[%add3A_109, %dma_wait3A_165] : memref<256x16384xf32, #tpu.memory_space<hbm>> -> memref<1x16384xf32, #tpu.memory_space<hbm>>
      %dma_wait3A_167 = tpu.memref_squeeze %dma_wait3A_166 : memref<1x16384xf32, #tpu.memory_space<hbm>> -> memref<16384xf32, #tpu.memory_space<hbm>>
      tpu.wait_dma2 semaphore(%run_scoped3A : memref<!tpu.dma_semaphore, #tpu.memory_space<semaphore_mem>>) src(%arg11 : memref<16384xf32, #tpu.memory_space<vmem>>) dst(%dma_wait3A_167 : memref<16384xf32, #tpu.memory_space<hbm>>)
      tpu.yield
    }) : () -> ()
    %add3A_110 = arith.constant 4 : i32
    %add3A_111 = arith.addi %mul3A_2, %add3A_110 : i32
    "tpu.region"() ({
      %run_scoped3A = tpu.sem_alloc : memref<!tpu.dma_semaphore, #tpu.memory_space<semaphore_mem>>
      %dma_start3A_157 = arith.constant 0 : i32
      %dma_start3A_158 = tpu.memref_slice %arg7[%add3A_111, %dma_start3A_157] : memref<256x16384xf32, #tpu.memory_space<hbm>> -> memref<1x16384xf32, #tpu.memory_space<hbm>>
      %dma_start3A_159 = tpu.memref_squeeze %dma_start3A_158 : memref<1x16384xf32, #tpu.memory_space<hbm>> -> memref<16384xf32, #tpu.memory_space<hbm>>
      %dma_start3A_160 = arith.constant 0 : i32
      %dma_start3A_161 = tpu.memref_slice %arg7[%add3A_111, %dma_start3A_160] : memref<256x16384xf32, #tpu.memory_space<hbm>> -> memref<1x16384xf32, #tpu.memory_space<hbm>>
      %dma_start3A_162 = tpu.memref_squeeze %dma_start3A_161 : memref<1x16384xf32, #tpu.memory_space<hbm>> -> memref<16384xf32, #tpu.memory_space<hbm>>
      tpu.enqueue_dma source(%arg12 : memref<16384xf32, #tpu.memory_space<vmem>>) target(%dma_start3A_162 : memref<16384xf32, #tpu.memory_space<hbm>>) target_semaphore(%run_scoped3A : memref<!tpu.dma_semaphore, #tpu.memory_space<semaphore_mem>>)
      %dma_wait3A = arith.constant 0 : i32
      %dma_wait3A_163 = tpu.memref_slice %arg7[%add3A_111, %dma_wait3A] : memref<256x16384xf32, #tpu.memory_space<hbm>> -> memref<1x16384xf32, #tpu.memory_space<hbm>>
      %dma_wait3A_164 = tpu.memref_squeeze %dma_wait3A_163 : memref<1x16384xf32, #tpu.memory_space<hbm>> -> memref<16384xf32, #tpu.memory_space<hbm>>
      %dma_wait3A_165 = arith.constant 0 : i32
      %dma_wait3A_166 = tpu.memref_slice %arg7[%add3A_111, %dma_wait3A_165] : memref<256x16384xf32, #tpu.memory_space<hbm>> -> memref<1x16384xf32, #tpu.memory_space<hbm>>
      %dma_wait3A_167 = tpu.memref_squeeze %dma_wait3A_166 : memref<1x16384xf32, #tpu.memory_space<hbm>> -> memref<16384xf32, #tpu.memory_space<hbm>>
      tpu.wait_dma2 semaphore(%run_scoped3A : memref<!tpu.dma_semaphore, #tpu.memory_space<semaphore_mem>>) src(%arg12 : memref<16384xf32, #tpu.memory_space<vmem>>) dst(%dma_wait3A_167 : memref<16384xf32, #tpu.memory_space<hbm>>)
      tpu.yield
    }) : () -> ()
    %add3A_112 = arith.constant 5 : i32
    %add3A_113 = arith.addi %mul3A_2, %add3A_112 : i32
    "tpu.region"() ({
      %run_scoped3A = tpu.sem_alloc : memref<!tpu.dma_semaphore, #tpu.memory_space<semaphore_mem>>
      %dma_start3A_157 = arith.constant 0 : i32
      %dma_start3A_158 = tpu.memref_slice %arg7[%add3A_113, %dma_start3A_157] : memref<256x16384xf32, #tpu.memory_space<hbm>> -> memref<1x16384xf32, #tpu.memory_space<hbm>>
      %dma_start3A_159 = tpu.memref_squeeze %dma_start3A_158 : memref<1x16384xf32, #tpu.memory_space<hbm>> -> memref<16384xf32, #tpu.memory_space<hbm>>
      %dma_start3A_160 = arith.constant 0 : i32
      %dma_start3A_161 = tpu.memref_slice %arg7[%add3A_113, %dma_start3A_160] : memref<256x16384xf32, #tpu.memory_space<hbm>> -> memref<1x16384xf32, #tpu.memory_space<hbm>>
      %dma_start3A_162 = tpu.memref_squeeze %dma_start3A_161 : memref<1x16384xf32, #tpu.memory_space<hbm>> -> memref<16384xf32, #tpu.memory_space<hbm>>
      tpu.enqueue_dma source(%arg13 : memref<16384xf32, #tpu.memory_space<vmem>>) target(%dma_start3A_162 : memref<16384xf32, #tpu.memory_space<hbm>>) target_semaphore(%run_scoped3A : memref<!tpu.dma_semaphore, #tpu.memory_space<semaphore_mem>>)
      %dma_wait3A = arith.constant 0 : i32
      %dma_wait3A_163 = tpu.memref_slice %arg7[%add3A_113, %dma_wait3A] : memref<256x16384xf32, #tpu.memory_space<hbm>> -> memref<1x16384xf32, #tpu.memory_space<hbm>>
      %dma_wait3A_164 = tpu.memref_squeeze %dma_wait3A_163 : memref<1x16384xf32, #tpu.memory_space<hbm>> -> memref<16384xf32, #tpu.memory_space<hbm>>
      %dma_wait3A_165 = arith.constant 0 : i32
      %dma_wait3A_166 = tpu.memref_slice %arg7[%add3A_113, %dma_wait3A_165] : memref<256x16384xf32, #tpu.memory_space<hbm>> -> memref<1x16384xf32, #tpu.memory_space<hbm>>
      %dma_wait3A_167 = tpu.memref_squeeze %dma_wait3A_166 : memref<1x16384xf32, #tpu.memory_space<hbm>> -> memref<16384xf32, #tpu.memory_space<hbm>>
      tpu.wait_dma2 semaphore(%run_scoped3A : memref<!tpu.dma_semaphore, #tpu.memory_space<semaphore_mem>>) src(%arg13 : memref<16384xf32, #tpu.memory_space<vmem>>) dst(%dma_wait3A_167 : memref<16384xf32, #tpu.memory_space<hbm>>)
      tpu.yield
    }) : () -> ()
    %dma_start3A_114 = arith.constant 0 : i32
    %dma_start3A_115 = tpu.memref_slice %arg3[%dma_start3A_114] : memref<270336xi32, #tpu.memory_space<hbm>> -> memref<4096xi32, #tpu.memory_space<hbm>>
    %dma_start3A_116 = arith.constant 0 : i32
    %dma_start3A_117 = tpu.memref_slice %arg3[%dma_start3A_116] : memref<270336xi32, #tpu.memory_space<hbm>> -> memref<4096xi32, #tpu.memory_space<hbm>>
    tpu.enqueue_dma source(%dma_start3A_117 : memref<4096xi32, #tpu.memory_space<hbm>>) target(%arg14 : memref<4096xi32, #tpu.memory_space<vmem>>) target_semaphore(%arg20 : memref<!tpu.dma_semaphore, #tpu.memory_space<semaphore_mem>>)
    %dma_start3A_118 = arith.constant 0 : i32
    %dma_start3A_119 = tpu.memref_slice %arg4[%dma_start3A_118] : memref<270336xf32, #tpu.memory_space<hbm>> -> memref<4096xf32, #tpu.memory_space<hbm>>
    %dma_start3A_120 = arith.constant 0 : i32
    %dma_start3A_121 = tpu.memref_slice %arg4[%dma_start3A_120] : memref<270336xf32, #tpu.memory_space<hbm>> -> memref<4096xf32, #tpu.memory_space<hbm>>
    tpu.enqueue_dma source(%dma_start3A_121 : memref<4096xf32, #tpu.memory_space<hbm>>) target(%arg15 : memref<4096xf32, #tpu.memory_space<vmem>>) target_semaphore(%arg20 : memref<!tpu.dma_semaphore, #tpu.memory_space<semaphore_mem>>)
    %add3A_122 = arith.constant 6 : i32
    %add3A_123 = arith.addi %mul3A_2, %add3A_122 : i32
    "tpu.region"() ({
      %run_scoped3A = tpu.sem_alloc : memref<!tpu.dma_semaphore, #tpu.memory_space<semaphore_mem>>
      %dma_start3A_157 = arith.constant 0 : i32
      %dma_start3A_158 = tpu.memref_slice %arg2[%add3A_123, %dma_start3A_157] : memref<256x16384xf32, #tpu.memory_space<hbm>> -> memref<1x16384xf32, #tpu.memory_space<hbm>>
      %dma_start3A_159 = tpu.memref_squeeze %dma_start3A_158 : memref<1x16384xf32, #tpu.memory_space<hbm>> -> memref<16384xf32, #tpu.memory_space<hbm>>
      %dma_start3A_160 = arith.constant 0 : i32
      %dma_start3A_161 = tpu.memref_slice %arg2[%add3A_123, %dma_start3A_160] : memref<256x16384xf32, #tpu.memory_space<hbm>> -> memref<1x16384xf32, #tpu.memory_space<hbm>>
      %dma_start3A_162 = tpu.memref_squeeze %dma_start3A_161 : memref<1x16384xf32, #tpu.memory_space<hbm>> -> memref<16384xf32, #tpu.memory_space<hbm>>
      tpu.enqueue_dma source(%dma_start3A_162 : memref<16384xf32, #tpu.memory_space<hbm>>) target(%arg8 : memref<16384xf32, #tpu.memory_space<vmem>>) target_semaphore(%run_scoped3A : memref<!tpu.dma_semaphore, #tpu.memory_space<semaphore_mem>>)
      %dma_wait3A = arith.constant 0 : i32
      %dma_wait3A_163 = tpu.memref_slice %arg2[%add3A_123, %dma_wait3A] : memref<256x16384xf32, #tpu.memory_space<hbm>> -> memref<1x16384xf32, #tpu.memory_space<hbm>>
      %dma_wait3A_164 = tpu.memref_squeeze %dma_wait3A_163 : memref<1x16384xf32, #tpu.memory_space<hbm>> -> memref<16384xf32, #tpu.memory_space<hbm>>
      %dma_wait3A_165 = arith.constant 0 : i32
      %dma_wait3A_166 = tpu.memref_slice %arg2[%add3A_123, %dma_wait3A_165] : memref<256x16384xf32, #tpu.memory_space<hbm>> -> memref<1x16384xf32, #tpu.memory_space<hbm>>
      %dma_wait3A_167 = tpu.memref_squeeze %dma_wait3A_166 : memref<1x16384xf32, #tpu.memory_space<hbm>> -> memref<16384xf32, #tpu.memory_space<hbm>>
      tpu.wait_dma2 semaphore(%run_scoped3A : memref<!tpu.dma_semaphore, #tpu.memory_space<semaphore_mem>>) src(%dma_wait3A_167 : memref<16384xf32, #tpu.memory_space<hbm>>) dst(%arg8 : memref<16384xf32, #tpu.memory_space<vmem>>)
      tpu.yield
    }) : () -> ()
    %parallel_loop3A_124 = arith.constant 0 : i32
    %parallel_loop3A_125 = arith.constant 16384 : i32
    %parallel_loop3A_126 = arith.constant 16 : i32
    scf.for %parallel_loop3A_157 = %parallel_loop3A_124 to %parallel_loop3A_125 step %parallel_loop3A_126  : i32 {
      %parallel_loop3A_158 = arith.constant 0.000000e+00 : f32
      %parallel_loop3A_159 = vector.broadcast %parallel_loop3A_158 : f32 to vector<16xf32>
      %parallel_loop3A_160 = arith.index_cast %parallel_loop3A_157 : i32 to index
      %parallel_loop3A_161 = tpu.vector_load %arg11[%parallel_loop3A_160] {strides = array<i32>} : memref<16384xf32, #tpu.memory_space<vmem>>, vector<16xf32>,
      tpu.vector_store %arg11[%parallel_loop3A_160], %parallel_loop3A_159 {strides = array<i32>} : memref<16384xf32, #tpu.memory_space<vmem>>, vector<16xf32>,
    } {sc.loop_unroll_factor = 4 : i64, sc.parallel_access}
    %scan3A_127 = arith.constant 0 : i32
    %scan3A_128 = arith.constant 0 : i32
    %scan3A_129 = arith.constant 103 : i32
    %scan3A_130 = arith.addi %scan3A_128, %scan3A_129 : i32
    %scan3A_131 = arith.constant 1 : i32
    %scan3A_132 = scf.for %scan3A_157 = %scan3A_128 to %scan3A_130 step %scan3A_131 iter_args(%scan3A_158 = %scan3A_127) -> (i32)  : i32 {
      %mul3A_159 = arith.constant 16 : i32
      %mul3A_160 = arith.muli %scan3A_157, %mul3A_159 : i32
      %get3A = arith.index_cast %mul3A_160 : i32 to index
      %get3A_161 = tpu.vector_load %arg18[%get3A] {strides = array<i32>} : memref<1648xi32, #tpu.memory_space<vmem>>, vector<16xi32>,
      %mul3A_162 = arith.constant 16 : i32
      %mul3A_163 = arith.muli %scan3A_157, %mul3A_162 : i32
      %get3A_164 = arith.index_cast %mul3A_163 : i32 to index
      %get3A_165 = tpu.vector_load %arg19[%get3A_164] {strides = array<i32>} : memref<1648xf32, #tpu.memory_space<vmem>>, vector<16xf32>,
      tpu.vector_store_idx %arg11[%get3A_161], %get3A_165 {add = true} : memref<16384xf32, #tpu.memory_space<vmem>>[vector<16xi32>], vector<16xf32>,
      %scan3A_166 = arith.constant 0 : i32
      scf.yield %scan3A_166 : i32
    }
    %scan3A_133 = arith.constant 103 : i32
    %add3A_134 = arith.constant 7 : i32
    %add3A_135 = arith.addi %mul3A_2, %add3A_134 : i32
    "tpu.region"() ({
      %run_scoped3A = tpu.sem_alloc : memref<!tpu.dma_semaphore, #tpu.memory_space<semaphore_mem>>
      %dma_start3A_157 = arith.constant 0 : i32
      %dma_start3A_158 = tpu.memref_slice %arg2[%add3A_135, %dma_start3A_157] : memref<256x16384xf32, #tpu.memory_space<hbm>> -> memref<1x16384xf32, #tpu.memory_space<hbm>>
      %dma_start3A_159 = tpu.memref_squeeze %dma_start3A_158 : memref<1x16384xf32, #tpu.memory_space<hbm>> -> memref<16384xf32, #tpu.memory_space<hbm>>
      %dma_start3A_160 = arith.constant 0 : i32
      %dma_start3A_161 = tpu.memref_slice %arg2[%add3A_135, %dma_start3A_160] : memref<256x16384xf32, #tpu.memory_space<hbm>> -> memref<1x16384xf32, #tpu.memory_space<hbm>>
      %dma_start3A_162 = tpu.memref_squeeze %dma_start3A_161 : memref<1x16384xf32, #tpu.memory_space<hbm>> -> memref<16384xf32, #tpu.memory_space<hbm>>
      tpu.enqueue_dma source(%dma_start3A_162 : memref<16384xf32, #tpu.memory_space<hbm>>) target(%arg9 : memref<16384xf32, #tpu.memory_space<vmem>>) target_semaphore(%run_scoped3A : memref<!tpu.dma_semaphore, #tpu.memory_space<semaphore_mem>>)
      %dma_wait3A = arith.constant 0 : i32
      %dma_wait3A_163 = tpu.memref_slice %arg2[%add3A_135, %dma_wait3A] : memref<256x16384xf32, #tpu.memory_space<hbm>> -> memref<1x16384xf32, #tpu.memory_space<hbm>>
      %dma_wait3A_164 = tpu.memref_squeeze %dma_wait3A_163 : memref<1x16384xf32, #tpu.memory_space<hbm>> -> memref<16384xf32, #tpu.memory_space<hbm>>
      %dma_wait3A_165 = arith.constant 0 : i32
      %dma_wait3A_166 = tpu.memref_slice %arg2[%add3A_135, %dma_wait3A_165] : memref<256x16384xf32, #tpu.memory_space<hbm>> -> memref<1x16384xf32, #tpu.memory_space<hbm>>
      %dma_wait3A_167 = tpu.memref_squeeze %dma_wait3A_166 : memref<1x16384xf32, #tpu.memory_space<hbm>> -> memref<16384xf32, #tpu.memory_space<hbm>>
      tpu.wait_dma2 semaphore(%run_scoped3A : memref<!tpu.dma_semaphore, #tpu.memory_space<semaphore_mem>>) src(%dma_wait3A_167 : memref<16384xf32, #tpu.memory_space<hbm>>) dst(%arg9 : memref<16384xf32, #tpu.memory_space<vmem>>)
      tpu.yield
    }) : () -> ()
    %parallel_loop3A_136 = arith.constant 0 : i32
    %parallel_loop3A_137 = arith.constant 16384 : i32
    %parallel_loop3A_138 = arith.constant 16 : i32
    scf.for %parallel_loop3A_157 = %parallel_loop3A_136 to %parallel_loop3A_137 step %parallel_loop3A_138  : i32 {
      %parallel_loop3A_158 = arith.constant 0.000000e+00 : f32
      %parallel_loop3A_159 = vector.broadcast %parallel_loop3A_158 : f32 to vector<16xf32>
      %parallel_loop3A_160 = arith.index_cast %parallel_loop3A_157 : i32 to index
      %parallel_loop3A_161 = tpu.vector_load %arg12[%parallel_loop3A_160] {strides = array<i32>} : memref<16384xf32, #tpu.memory_space<vmem>>, vector<16xf32>,
      tpu.vector_store %arg12[%parallel_loop3A_160], %parallel_loop3A_159 {strides = array<i32>} : memref<16384xf32, #tpu.memory_space<vmem>>, vector<16xf32>,
    } {sc.loop_unroll_factor = 4 : i64, sc.parallel_access}
    %scan3A_139 = arith.constant 0 : i32
    %scan3A_140 = arith.constant 0 : i32
    %scan3A_141 = arith.constant 103 : i32
    %scan3A_142 = arith.addi %scan3A_140, %scan3A_141 : i32
    %scan3A_143 = arith.constant 1 : i32
    %scan3A_144 = scf.for %scan3A_157 = %scan3A_140 to %scan3A_142 step %scan3A_143 iter_args(%scan3A_158 = %scan3A_139) -> (i32)  : i32 {
      %mul3A_159 = arith.constant 16 : i32
      %mul3A_160 = arith.muli %scan3A_157, %mul3A_159 : i32
      %get3A = arith.index_cast %mul3A_160 : i32 to index
      %get3A_161 = tpu.vector_load %arg18[%get3A] {strides = array<i32>} : memref<1648xi32, #tpu.memory_space<vmem>>, vector<16xi32>,
      %mul3A_162 = arith.constant 16 : i32
      %mul3A_163 = arith.muli %scan3A_157, %mul3A_162 : i32
      %get3A_164 = arith.index_cast %mul3A_163 : i32 to index
      %get3A_165 = tpu.vector_load %arg19[%get3A_164] {strides = array<i32>} : memref<1648xf32, #tpu.memory_space<vmem>>, vector<16xf32>,
      tpu.vector_store_idx %arg12[%get3A_161], %get3A_165 {add = true} : memref<16384xf32, #tpu.memory_space<vmem>>[vector<16xi32>], vector<16xf32>,
      %scan3A_166 = arith.constant 0 : i32
      scf.yield %scan3A_166 : i32
    }
    %scan3A_145 = arith.constant 103 : i32
    %scan3A_146 = arith.constant 0 : i32
    %scan3A_147 = arith.constant 0 : i32
    %scan3A_148 = arith.constant 33 : i32
    %scan3A_149 = arith.addi %scan3A_147, %scan3A_148 : i32
    %scan3A_150 = arith.constant 1 : i32
    %scan3A_151 = scf.for %scan3A_157 = %scan3A_147 to %scan3A_149 step %scan3A_150 iter_args(%scan3A_158 = %scan3A_146) -> (i32)  : i32 {
      %mul3A_159 = arith.constant 2 : i32
      %mul3A_160 = arith.muli %mul3A_159, %scan3A_157 : i32
      %add3A_161 = arith.constant 1 : i32
      %add3A_162 = arith.addi %mul3A_160, %add3A_161 : i32
      %mul3A_163 = arith.constant 4096 : i32
      %mul3A_164 = arith.muli %add3A_162, %mul3A_163 : i32
      %dma_start3A_165 = tpu.memref_slice %arg3[%mul3A_164] : memref<270336xi32, #tpu.memory_space<hbm>> -> memref<4096xi32, #tpu.memory_space<hbm>>
      %dma_start3A_166 = tpu.memref_slice %arg3[%mul3A_164] : memref<270336xi32, #tpu.memory_space<hbm>> -> memref<4096xi32, #tpu.memory_space<hbm>>
      tpu.enqueue_dma source(%dma_start3A_166 : memref<4096xi32, #tpu.memory_space<hbm>>) target(%arg16 : memref<4096xi32, #tpu.memory_space<vmem>>) target_semaphore(%arg21 : memref<!tpu.dma_semaphore, #tpu.memory_space<semaphore_mem>>)
      %mul3A_167 = arith.constant 4096 : i32
      %mul3A_168 = arith.muli %add3A_162, %mul3A_167 : i32
      %dma_start3A_169 = tpu.memref_slice %arg4[%mul3A_168] : memref<270336xf32, #tpu.memory_space<hbm>> -> memref<4096xf32, #tpu.memory_space<hbm>>
      %dma_start3A_170 = tpu.memref_slice %arg4[%mul3A_168] : memref<270336xf32, #tpu.memory_space<hbm>> -> memref<4096xf32, #tpu.memory_space<hbm>>
      tpu.enqueue_dma source(%dma_start3A_170 : memref<4096xf32, #tpu.memory_space<hbm>>) target(%arg17 : memref<4096xf32, #tpu.memory_space<vmem>>) target_semaphore(%arg21 : memref<!tpu.dma_semaphore, #tpu.memory_space<semaphore_mem>>)
      %mul3A_171 = arith.constant 4096 : i32
      %mul3A_172 = arith.muli %mul3A_160, %mul3A_171 : i32
      %dma_wait3A = tpu.memref_slice %arg3[%mul3A_172] : memref<270336xi32, #tpu.memory_space<hbm>> -> memref<4096xi32, #tpu.memory_space<hbm>>
      %dma_wait3A_173 = tpu.memref_slice %arg3[%mul3A_172] : memref<270336xi32, #tpu.memory_space<hbm>> -> memref<4096xi32, #tpu.memory_space<hbm>>
      tpu.wait_dma2 semaphore(%arg20 : memref<!tpu.dma_semaphore, #tpu.memory_space<semaphore_mem>>) src(%dma_wait3A_173 : memref<4096xi32, #tpu.memory_space<hbm>>) dst(%arg14 : memref<4096xi32, #tpu.memory_space<vmem>>)
      %mul3A_174 = arith.constant 4096 : i32
      %mul3A_175 = arith.muli %mul3A_160, %mul3A_174 : i32
      %dma_wait3A_176 = tpu.memref_slice %arg4[%mul3A_175] : memref<270336xf32, #tpu.memory_space<hbm>> -> memref<4096xf32, #tpu.memory_space<hbm>>
      %dma_wait3A_177 = tpu.memref_slice %arg4[%mul3A_175] : memref<270336xf32, #tpu.memory_space<hbm>> -> memref<4096xf32, #tpu.memory_space<hbm>>
      tpu.wait_dma2 semaphore(%arg20 : memref<!tpu.dma_semaphore, #tpu.memory_space<semaphore_mem>>) src(%dma_wait3A_177 : memref<4096xf32, #tpu.memory_space<hbm>>) dst(%arg15 : memref<4096xf32, #tpu.memory_space<vmem>>)
      %parallel_loop3A_178 = arith.constant 0 : i32
      %parallel_loop3A_179 = arith.constant 4096 : i32
      %parallel_loop3A_180 = arith.constant 16 : i32
      scf.for %parallel_loop3A_197 = %parallel_loop3A_178 to %parallel_loop3A_179 step %parallel_loop3A_180  : i32 {
        %parallel_loop3A_198 = arith.index_cast %parallel_loop3A_197 : i32 to index
        %parallel_loop3A_199 = tpu.vector_load %arg14[%parallel_loop3A_198] {strides = array<i32>} : memref<4096xi32, #tpu.memory_space<vmem>>, vector<16xi32>,
        %parallel_loop3A_200 = arith.index_cast %parallel_loop3A_197 : i32 to index
        %parallel_loop3A_201 = tpu.vector_load %arg15[%parallel_loop3A_200] {strides = array<i32>} : memref<4096xf32, #tpu.memory_space<vmem>>, vector<16xf32>,
        %parallel_loop3A_202 = arith.constant 14 : i32
        %parallel_loop3A_203 = vector.broadcast %parallel_loop3A_202 : i32 to vector<16xi32>
        %parallel_loop3A_204 = arith.shrsi %parallel_loop3A_199, %parallel_loop3A_203 : vector<16xi32>
        %parallel_loop3A_205 = arith.constant 16383 : i32
        %parallel_loop3A_206 = vector.broadcast %parallel_loop3A_205 : i32 to vector<16xi32>
        %parallel_loop3A_207 = arith.andi %parallel_loop3A_199, %parallel_loop3A_206 : vector<16xi32>
        %parallel_loop3A_208 = tpu.vector_load_idx %arg8[%parallel_loop3A_207] : memref<16384xf32, #tpu.memory_space<vmem>>[vector<16xi32>], vector<16xf32>,
        %parallel_loop3A_209 = arith.mulf %parallel_loop3A_208, %parallel_loop3A_201 : vector<16xf32>
        tpu.vector_store_idx %arg11[%parallel_loop3A_204], %parallel_loop3A_209 {add = true} : memref<16384xf32, #tpu.memory_space<vmem>>[vector<16xi32>], vector<16xf32>,
        %parallel_loop3A_210 = tpu.vector_load_idx %arg9[%parallel_loop3A_207] : memref<16384xf32, #tpu.memory_space<vmem>>[vector<16xi32>], vector<16xf32>,
        %parallel_loop3A_211 = arith.mulf %parallel_loop3A_210, %parallel_loop3A_201 : vector<16xf32>
        tpu.vector_store_idx %arg12[%parallel_loop3A_204], %parallel_loop3A_211 {add = true} : memref<16384xf32, #tpu.memory_space<vmem>>[vector<16xi32>], vector<16xf32>,
      } {sc.loop_unroll_factor = 4 : i64, sc.parallel_access}
      %lt3A = arith.constant 32 : i32
      %lt3A_181 = arith.cmpi slt, %scan3A_157, %lt3A : i32
      %convert_element_type3A = arith.extui %lt3A_181 : i1 to i32
      %cond3A = arith.constant 0 : i32
      %cond3A_182 = arith.cmpi ne, %convert_element_type3A, %cond3A : i32
      scf.if %cond3A_182 {
        %add3A_197 = arith.constant 2 : i32
        %add3A_198 = arith.addi %mul3A_160, %add3A_197 : i32
        %mul3A_199 = arith.constant 4096 : i32
        %mul3A_200 = arith.muli %add3A_198, %mul3A_199 : i32
        %dma_start3A_201 = tpu.memref_slice %arg3[%mul3A_200] : memref<270336xi32, #tpu.memory_space<hbm>> -> memref<4096xi32, #tpu.memory_space<hbm>>
        %dma_start3A_202 = tpu.memref_slice %arg3[%mul3A_200] : memref<270336xi32, #tpu.memory_space<hbm>> -> memref<4096xi32, #tpu.memory_space<hbm>>
        tpu.enqueue_dma source(%dma_start3A_202 : memref<4096xi32, #tpu.memory_space<hbm>>) target(%arg14 : memref<4096xi32, #tpu.memory_space<vmem>>) target_semaphore(%arg20 : memref<!tpu.dma_semaphore, #tpu.memory_space<semaphore_mem>>)
        %mul3A_203 = arith.constant 4096 : i32
        %mul3A_204 = arith.muli %add3A_198, %mul3A_203 : i32
        %dma_start3A_205 = tpu.memref_slice %arg4[%mul3A_204] : memref<270336xf32, #tpu.memory_space<hbm>> -> memref<4096xf32, #tpu.memory_space<hbm>>
        %dma_start3A_206 = tpu.memref_slice %arg4[%mul3A_204] : memref<270336xf32, #tpu.memory_space<hbm>> -> memref<4096xf32, #tpu.memory_space<hbm>>
        tpu.enqueue_dma source(%dma_start3A_206 : memref<4096xf32, #tpu.memory_space<hbm>>) target(%arg15 : memref<4096xf32, #tpu.memory_space<vmem>>) target_semaphore(%arg20 : memref<!tpu.dma_semaphore, #tpu.memory_space<semaphore_mem>>)
      } else {
      }
      %add3A_183 = arith.constant 1 : i32
      %add3A_184 = arith.addi %mul3A_160, %add3A_183 : i32
      %mul3A_185 = arith.constant 4096 : i32
      %mul3A_186 = arith.muli %add3A_184, %mul3A_185 : i32
      %dma_wait3A_187 = tpu.memref_slice %arg3[%mul3A_186] : memref<270336xi32, #tpu.memory_space<hbm>> -> memref<4096xi32, #tpu.memory_space<hbm>>
      %dma_wait3A_188 = tpu.memref_slice %arg3[%mul3A_186] : memref<270336xi32, #tpu.memory_space<hbm>> -> memref<4096xi32, #tpu.memory_space<hbm>>
      tpu.wait_dma2 semaphore(%arg21 : memref<!tpu.dma_semaphore, #tpu.memory_space<semaphore_mem>>) src(%dma_wait3A_188 : memref<4096xi32, #tpu.memory_space<hbm>>) dst(%arg16 : memref<4096xi32, #tpu.memory_space<vmem>>)
      %mul3A_189 = arith.constant 4096 : i32
      %mul3A_190 = arith.muli %add3A_184, %mul3A_189 : i32
      %dma_wait3A_191 = tpu.memref_slice %arg4[%mul3A_190] : memref<270336xf32, #tpu.memory_space<hbm>> -> memref<4096xf32, #tpu.memory_space<hbm>>
      %dma_wait3A_192 = tpu.memref_slice %arg4[%mul3A_190] : memref<270336xf32, #tpu.memory_space<hbm>> -> memref<4096xf32, #tpu.memory_space<hbm>>
      tpu.wait_dma2 semaphore(%arg21 : memref<!tpu.dma_semaphore, #tpu.memory_space<semaphore_mem>>) src(%dma_wait3A_192 : memref<4096xf32, #tpu.memory_space<hbm>>) dst(%arg17 : memref<4096xf32, #tpu.memory_space<vmem>>)
      %parallel_loop3A_193 = arith.constant 0 : i32
      %parallel_loop3A_194 = arith.constant 4096 : i32
      %parallel_loop3A_195 = arith.constant 16 : i32
      scf.for %parallel_loop3A_197 = %parallel_loop3A_193 to %parallel_loop3A_194 step %parallel_loop3A_195  : i32 {
        %parallel_loop3A_198 = arith.index_cast %parallel_loop3A_197 : i32 to index
        %parallel_loop3A_199 = tpu.vector_load %arg16[%parallel_loop3A_198] {strides = array<i32>} : memref<4096xi32, #tpu.memory_space<vmem>>, vector<16xi32>,
        %parallel_loop3A_200 = arith.index_cast %parallel_loop3A_197 : i32 to index
        %parallel_loop3A_201 = tpu.vector_load %arg17[%parallel_loop3A_200] {strides = array<i32>} : memref<4096xf32, #tpu.memory_space<vmem>>, vector<16xf32>,
        %parallel_loop3A_202 = arith.constant 14 : i32
        %parallel_loop3A_203 = vector.broadcast %parallel_loop3A_202 : i32 to vector<16xi32>
        %parallel_loop3A_204 = arith.shrsi %parallel_loop3A_199, %parallel_loop3A_203 : vector<16xi32>
        %parallel_loop3A_205 = arith.constant 16383 : i32
        %parallel_loop3A_206 = vector.broadcast %parallel_loop3A_205 : i32 to vector<16xi32>
        %parallel_loop3A_207 = arith.andi %parallel_loop3A_199, %parallel_loop3A_206 : vector<16xi32>
        %parallel_loop3A_208 = tpu.vector_load_idx %arg8[%parallel_loop3A_207] : memref<16384xf32, #tpu.memory_space<vmem>>[vector<16xi32>], vector<16xf32>,
        %parallel_loop3A_209 = arith.mulf %parallel_loop3A_208, %parallel_loop3A_201 : vector<16xf32>
        tpu.vector_store_idx %arg11[%parallel_loop3A_204], %parallel_loop3A_209 {add = true} : memref<16384xf32, #tpu.memory_space<vmem>>[vector<16xi32>], vector<16xf32>,
        %parallel_loop3A_210 = tpu.vector_load_idx %arg9[%parallel_loop3A_207] : memref<16384xf32, #tpu.memory_space<vmem>>[vector<16xi32>], vector<16xf32>,
        %parallel_loop3A_211 = arith.mulf %parallel_loop3A_210, %parallel_loop3A_201 : vector<16xf32>
        tpu.vector_store_idx %arg12[%parallel_loop3A_204], %parallel_loop3A_211 {add = true} : memref<16384xf32, #tpu.memory_space<vmem>>[vector<16xi32>], vector<16xf32>,
      } {sc.loop_unroll_factor = 4 : i64, sc.parallel_access}
      %scan3A_196 = arith.constant 0 : i32
      scf.yield %scan3A_196 : i32
    }
    %scan3A_152 = arith.constant 33 : i32
    %add3A_153 = arith.constant 6 : i32
    %add3A_154 = arith.addi %mul3A_2, %add3A_153 : i32
    "tpu.region"() ({
      %run_scoped3A = tpu.sem_alloc : memref<!tpu.dma_semaphore, #tpu.memory_space<semaphore_mem>>
      %dma_start3A_157 = arith.constant 0 : i32
      %dma_start3A_158 = tpu.memref_slice %arg7[%add3A_154, %dma_start3A_157] : memref<256x16384xf32, #tpu.memory_space<hbm>> -> memref<1x16384xf32, #tpu.memory_space<hbm>>
      %dma_start3A_159 = tpu.memref_squeeze %dma_start3A_158 : memref<1x16384xf32, #tpu.memory_space<hbm>> -> memref<16384xf32, #tpu.memory_space<hbm>>
      %dma_start3A_160 = arith.constant 0 : i32
      %dma_start3A_161 = tpu.memref_slice %arg7[%add3A_154, %dma_start3A_160] : memref<256x16384xf32, #tpu.memory_space<hbm>> -> memref<1x16384xf32, #tpu.memory_space<hbm>>
      %dma_start3A_162 = tpu.memref_squeeze %dma_start3A_161 : memref<1x16384xf32, #tpu.memory_space<hbm>> -> memref<16384xf32, #tpu.memory_space<hbm>>
      tpu.enqueue_dma source(%arg11 : memref<16384xf32, #tpu.memory_space<vmem>>) target(%dma_start3A_162 : memref<16384xf32, #tpu.memory_space<hbm>>) target_semaphore(%run_scoped3A : memref<!tpu.dma_semaphore, #tpu.memory_space<semaphore_mem>>)
      %dma_wait3A = arith.constant 0 : i32
      %dma_wait3A_163 = tpu.memref_slice %arg7[%add3A_154, %dma_wait3A] : memref<256x16384xf32, #tpu.memory_space<hbm>> -> memref<1x16384xf32, #tpu.memory_space<hbm>>
      %dma_wait3A_164 = tpu.memref_squeeze %dma_wait3A_163 : memref<1x16384xf32, #tpu.memory_space<hbm>> -> memref<16384xf32, #tpu.memory_space<hbm>>
      %dma_wait3A_165 = arith.constant 0 : i32
      %dma_wait3A_166 = tpu.memref_slice %arg7[%add3A_154, %dma_wait3A_165] : memref<256x16384xf32, #tpu.memory_space<hbm>> -> memref<1x16384xf32, #tpu.memory_space<hbm>>
      %dma_wait3A_167 = tpu.memref_squeeze %dma_wait3A_166 : memref<1x16384xf32, #tpu.memory_space<hbm>> -> memref<16384xf32, #tpu.memory_space<hbm>>
      tpu.wait_dma2 semaphore(%run_scoped3A : memref<!tpu.dma_semaphore, #tpu.memory_space<semaphore_mem>>) src(%arg11 : memref<16384xf32, #tpu.memory_space<vmem>>) dst(%dma_wait3A_167 : memref<16384xf32, #tpu.memory_space<hbm>>)
      tpu.yield
    }) : () -> ()
    %add3A_155 = arith.constant 7 : i32
    %add3A_156 = arith.addi %mul3A_2, %add3A_155 : i32
    "tpu.region"() ({
      %run_scoped3A = tpu.sem_alloc : memref<!tpu.dma_semaphore, #tpu.memory_space<semaphore_mem>>
      %dma_start3A_157 = arith.constant 0 : i32
      %dma_start3A_158 = tpu.memref_slice %arg7[%add3A_156, %dma_start3A_157] : memref<256x16384xf32, #tpu.memory_space<hbm>> -> memref<1x16384xf32, #tpu.memory_space<hbm>>
      %dma_start3A_159 = tpu.memref_squeeze %dma_start3A_158 : memref<1x16384xf32, #tpu.memory_space<hbm>> -> memref<16384xf32, #tpu.memory_space<hbm>>
      %dma_start3A_160 = arith.constant 0 : i32
      %dma_start3A_161 = tpu.memref_slice %arg7[%add3A_156, %dma_start3A_160] : memref<256x16384xf32, #tpu.memory_space<hbm>> -> memref<1x16384xf32, #tpu.memory_space<hbm>>
      %dma_start3A_162 = tpu.memref_squeeze %dma_start3A_161 : memref<1x16384xf32, #tpu.memory_space<hbm>> -> memref<16384xf32, #tpu.memory_space<hbm>>
      tpu.enqueue_dma source(%arg12 : memref<16384xf32, #tpu.memory_space<vmem>>) target(%dma_start3A_162 : memref<16384xf32, #tpu.memory_space<hbm>>) target_semaphore(%run_scoped3A : memref<!tpu.dma_semaphore, #tpu.memory_space<semaphore_mem>>)
      %dma_wait3A = arith.constant 0 : i32
      %dma_wait3A_163 = tpu.memref_slice %arg7[%add3A_156, %dma_wait3A] : memref<256x16384xf32, #tpu.memory_space<hbm>> -> memref<1x16384xf32, #tpu.memory_space<hbm>>
      %dma_wait3A_164 = tpu.memref_squeeze %dma_wait3A_163 : memref<1x16384xf32, #tpu.memory_space<hbm>> -> memref<16384xf32, #tpu.memory_space<hbm>>
      %dma_wait3A_165 = arith.constant 0 : i32
      %dma_wait3A_166 = tpu.memref_slice %arg7[%add3A_156, %dma_wait3A_165] : memref<256x16384xf32, #tpu.memory_space<hbm>> -> memref<1x16384xf32, #tpu.memory_space<hbm>>
      %dma_wait3A_167 = tpu.memref_squeeze %dma_wait3A_166 : memref<1x16384xf32, #tpu.memory_space<hbm>> -> memref<16384xf32, #tpu.memory_space<hbm>>
      tpu.wait_dma2 semaphore(%run_scoped3A : memref<!tpu.dma_semaphore, #tpu.memory_space<semaphore_mem>>) src(%arg12 : memref<16384xf32, #tpu.memory_space<vmem>>) dst(%dma_wait3A_167 : memref<16384xf32, #tpu.memory_space<hbm>>)
      tpu.yield
    }) : () -> ()
    return
  }
}

</mosaic_0001>

<sc_bundles>
// kernel: kernel.3.cloned.1.call-start
scs
__scs_entry_jumppad:
0x0: {  	(pc) =	sbr.rel $0x88, $3  }
0x1: {  	(tag) =	ssettag $0x0;
	lr =	simm.s32 $0x1  }
0x2: {  	[smem:$0x3F9C] =	sst lr;
	_ =	strace $0xD0000000  }
0x3: {  	_ = 	snop  }
0x4: {  	_ = 	snop  }
0x5: {  	_ = 	snop  }
0x6: {  	_ = 	snop  }
0x7: {  	_ = 	snop  }
__scs_overlays_trampoline_lowered:
0x8: {  	[smem:$0x3FAB] =	sst s0  }
0x9: {  	[smem:$0x3FAC] =	sst s1  }
0xa: {  	[smem:$0x3FAD] =	sst s2  }
0xb: {  	[smem:$0x3FAE] =	sst s3  }
0xc: {  	[smem:$0x3FAF] =	sst s4  }
0xd: {  	[smem:$0x3FB0] =	sst s5  }
0xe: {  	[smem:$0x3FB1] =	sst s6  }
0xf: {  	[smem:$0x3FB2] =	sst s7  }
0x10: {  	[smem:$0x3FB3] =	sst s8  }
0x11: {  	[smem:$0x3FB4] =	sst s9;
	s0 =	simm.s32 @!p0 $0x0  }
0x12: {  	s1 =	sld [smem:$0x3F9A];
	s0 =	simm.s32 @p0 $0x1  }
0x13: {  	[smem:$0x3FB5] =	sst s0;
	s0 =	simm.s32 @!p1 $0x0  }
0x14: {  	s2 =	sld [smem:$0x3F99];
	s0 =	simm.s32 @p1 $0x1  }
0x15: {  	[smem:$0x3FB6] =	sst s0;
	s0 =	simm.s32 @!p2 $0x0  }
0x16: {  	s3 =	sld [smem:$0x3FDB];
	s0 =	simm.s32 @p2 $0x1  }
0x17: {  	s4 =	simm.s32 $0x1BF5;
	[smem:$0x3FB8] =	sst s0  }
0x18: {  	s0 =	sld [smem:$0x3F9B];
	_ =	swait.ge [sflag:s4], $0x0  }
0x19: {  	s7 =	sld [smem:$0x3F9C]  }
0x1a: {  	s8 =	sadd.s32 $0xFFFFE003, lr  }
0x1b: {  	s9 =	sadd.s32 $0xFFFFFEF7, lr;
	s5 =	simm.s32 $0xFFFFFFFF;
	p2 =	slt.u32 s8, $0xFFFFF086  }
0x1c: {  	p1 =	slt.u32 s9, $0xF7A;
	s5 =	simm.s32 @!p2 $0x0  }
0x1d: {  	s5 =	simm.s32 @p1 $0x1;
	p0 =	seq.s32 s7, s2  }
0x1e: {  	s7 =	smul.u32 @!p0 $0xF7A, s2;
	p2 =	seq.s32 @!p0 s5, $0x0  }
0x1f: {  	s9 =	smul.u32 $0xF7A, s1;
	s8 =	simm.s32 @!p0 $0x1BF5;
	p2 =	por !p2, p0  }
0x20: {  	[sflag:s8] =	ssyncset.s32 @!p0 $0xFFFFF086;
	s6 =	sadd.s32 @!p0 s3, s7;
	s7 =	simm.s32 @!p0 $0x108  }
0x21: {  	s3 =	sadd.s32 s3, s9;
	s6 =	sadd.s32 @!p0 $0x88, s6;
	s7 =	simm.s32 @p2 $0x1082  }
0x22: {  	[simem:s7], [sflag:s8] =	dma.local @!p0 [hbm:s6], $0xF7A  }
0x23: {  	s9 =	sor.u32 $0xD0000000, s2;
	s6 =	simm.s32 $0x108;
	_ =	swait.ge @!p0 [sflag:s8], $0x0  }
0x24: {  	s3 =	sadd.s32 $0x88, s3;
	s6 =	simm.s32 @!p1 $0x1082;
	[sflag:s4] =	ssyncset.s32 $0xFFFFF086  }
0x25: {  	[simem:s6], [sflag:s4] =	dma.local [hbm:s3], $0xF7A  }
0x26: {  	[smem:$0x3F9C] =	sst s1;
	(tag) =	ssettag s2;
	_ =	strace s9  }
0x27: {  	s1 =	sld [smem:$0x3FAC]  }
0x28: {  	s2 =	sld [smem:$0x3FAD]  }
0x29: {  	s4 =	sld [smem:$0x3FAF]  }
0x2a: {  	p0 =	seq.s32 s5, $0x0;
	s5 =	sld [smem:$0x3FB0]  }
0x2b: {  	s6 =	sld [smem:$0x3FB1]  }
0x2c: {  	s7 =	sld [smem:$0x3FB2]  }
0x2d: {  	s3 =	simm.s32 $0x108;
	s8 =	sld [smem:$0x3FB3]  }
0x2e: {  	s3 =	simm.s32 @!p0 $0x1082;
	s9 =	sld [smem:$0x3FB4]  }
0x2f: {  	lr =	sadd.s32 s0, s3;
	s0 =	sld [smem:$0x3FAB]  }
0x30: {  	s3 =	sld [smem:$0x3FAE]  }
0x31: {  	[smem:$0x3FB7] =	sst s10  }
0x32: {  	s10 =	sld [smem:$0x3FB5];
	_ =	sdelay $0x3  }
0x33: {  	p0 =	seq.s32 s10, $0x1;
	s10 =	sld [smem:$0x3FB7];
	_ =	sdelay $0x3  }
0x34: {  	[smem:$0x3FB7] =	sst s10  }
0x35: {  	s10 =	sld [smem:$0x3FB6];
	_ =	sdelay $0x3  }
0x36: {  	p1 =	seq.s32 s10, $0x1;
	s10 =	sld [smem:$0x3FB7];
	_ =	sdelay $0x3  }
0x37: {  	[smem:$0x3FB7] =	sst s10  }
0x38: {  	s10 =	sld [smem:$0x3FB8]  }
0x39: {  	_ = 	snop;
	(pc) =	sbr.ind lr, $3  }
0x3a: {  	_ = 	snop  }
0x3b: {  	_ = 	snop  }
0x3c: {  	p2 =	seq.s32 s10, $0x1;
	s10 =	sld [smem:$0x3FB7]  }
0x3d: {  	_ =	shalt  }
0x3e: {  	_ =	shalt  }
0x3f: {  	_ =	shalt  }
0x40: {  	_ =	shalt  }
0x41: {  	_ =	shalt  }
0x42: {  	_ =	shalt  }
0x43: {  	_ =	shalt  }
0x44: {  	_ =	shalt  }
0x45: {  	_ =	shalt  }
0x46: {  	_ =	shalt  }
0x47: {  	_ =	shalt  }
0x48: {  	_ =	shalt  }
0x49: {  	_ =	shalt  }
0x4a: {  	_ =	shalt  }
0x4b: {  	_ =	shalt  }
0x4c: {  	_ =	shalt  }
0x4d: {  	_ =	shalt  }
0x4e: {  	_ =	shalt  }
0x4f: {  	_ =	shalt  }
0x50: {  	_ =	shalt  }
0x51: {  	_ =	shalt  }
0x52: {  	_ =	shalt  }
0x53: {  	_ =	shalt  }
0x54: {  	_ =	shalt  }
0x55: {  	_ =	shalt  }
0x56: {  	_ =	shalt  }
0x57: {  	_ =	shalt  }
0x58: {  	_ =	shalt  }
0x59: {  	_ =	shalt  }
0x5a: {  	_ =	shalt  }
0x5b: {  	_ =	shalt  }
0x5c: {  	_ =	shalt  }
0x5d: {  	_ =	shalt  }
0x5e: {  	_ =	shalt  }
0x5f: {  	_ =	shalt  }
0x60: {  	_ =	shalt  }
0x61: {  	_ =	shalt  }
0x62: {  	_ =	shalt  }
0x63: {  	_ =	shalt  }
0x64: {  	_ =	shalt  }
0x65: {  	_ =	shalt  }
0x66: {  	_ =	shalt  }
0x67: {  	_ =	shalt  }
0x68: {  	_ =	shalt  }
0x69: {  	_ =	shalt  }
0x6a: {  	_ =	shalt  }
0x6b: {  	_ =	shalt  }
0x6c: {  	_ =	shalt  }
0x6d: {  	_ =	shalt  }
0x6e: {  	_ =	shalt  }
0x6f: {  	_ =	shalt  }
0x70: {  	_ =	shalt  }
0x71: {  	_ =	shalt  }
0x72: {  	_ =	shalt  }
0x73: {  	_ =	shalt  }
0x74: {  	_ =	shalt  }
0x75: {  	_ =	shalt  }
0x76: {  	_ =	shalt  }
0x77: {  	_ =	shalt  }
0x78: {  	_ =	shalt  }
0x79: {  	_ =	shalt  }
0x7a: {  	_ =	shalt  }
0x7b: {  	_ =	shalt  }
0x7c: {  	_ =	shalt  }
0x7d: {  	_ =	shalt  }
0x7e: {  	_ =	shalt  }
0x7f: {  	_ =	shalt  }
0x80: {  	_ =	shalt  }
0x81: {  	_ =	shalt  }
0x82: {  	_ =	shalt  }
0x83: {  	_ =	shalt  }
0x84: {  	_ =	shalt  }
0x85: {  	_ =	shalt  }
0x86: {  	_ =	shalt  }
0x87: {  	_ =	shalt  }
.Lfunc_end0:
.L_simem_size_0:
called_computation_lowered:
.L_overlay_start_0:
0x88: {  	s2 =	sld [smem:$0x3FD9]  }
0x89: {  	s3 =	sld [smem:$0x3FFE];
	_ =	sdelay $0x1  }
0x8a: {  	s1 =	srdreg.scid  }
0x8b: {  	s0 =	sand.u32 $0x1, s1  }
0x8c: {  	s17 =	sshll.u32 s0, $0xA;
	s2 =	sadd.s32 s3, s2  }
0x8d: {  	s2 =	sadd.s32 s2, s17  }
0x8e: {  	[smem:$0x3FC3] =	sst s2  }
0x8f: {  	_ = 	snop  }
0x90: {  	s2 =	sld [smem:$0x3FC9]  }
0x91: {  	s18 =	sld [smem:$0x3FD0];
	(tm) =	ssettm $0x1  }
0x92: {  	s4 =	sld [smem:$0x3FFB];
	_ =	sdelay $0x3  }
0x93: {  	_ =	strace s4  }
0x94: {  	s4 =	sld [smem:$0x3FFC];
	_ =	sdelay $0x3  }
0x95: {  	_ =	strace s4  }
0x96: {  	s4 =	sld [smem:$0x3FFD];
	_ =	sdelay $0x3  }
0x97: {  	_ =	strace s4  }
0x98: {  	_ =	strace $0x8FFFFFFF  }
0x99: {  	s19 =	sld [smem:$0x3FDB];
	_ =	sdelay $0x1  }
0x9a: {  	s5 =	simm.s32 $_scs_section_size  }
0x9b: {  	s6 =	simm.s32 $_size__tile_overlayer_lowered;
	s7 =	simm.s32 $_tile_overlayer_lowered  }
0x9c: {  	s22 =	simm.s32 $0x1BFF;
	s21 =	sshll.u32 s7, $0x1;
	s4 =	sadd.s32 s5, s19  }
0x9d: {  	s8 =	simm.s32 $0x0;
	s20 =	sshll.u32 s6, $0x1;
	s6 =	sadd.s32 s21, s4  }
0x9e: {  	[timem:s8], [sflag:s22] =	dma.local [hbm:s6], s20  }
0x9f: {  	_ =	swait.ge [sflag:s22], s20  }
0xa0: {  	s5 =	ssub.s32 $0x0, s20;
	[sflag:s22] =	ssyncset.done $0x0  }
0xa1: {  	[sflag:s22] =	ssyncadd.s32 s5;
	_ =	sdelay $0x1  }
0xa2: {  	s23 =	simm.s32 $0x1B8B  }
0xa3: {  	_ =	swait.ge [sflag:s23], $0x1  }
0xa4: {  	[sflag:s23] =	ssyncset.done $0x0  }
0xa5: {  	s25 =	simm.s32 $0x1B8E;
	s24 =	sld [smem:$0x3FFE];
	[sflag:s23] =	ssyncadd.s32 $0xFFFFFFFF  }
0xa6: {  	s26 =	simm.s32 $execute0_lowered;
	[smem:$0x3FD2] =	sst s25  }
0xa7: {  	s6 =	sshll.u32 s26, $0x1;
	_ =	strace $0x80000046;
	[dreg:$0x1] =	wrdreg $0xFFFFFFFF  }
0xa8: {  	s28 =	simm.s32 $_size_execute0_lowered;
	s4 =	sadd.s32 s4, s6;
	[dreg:$0x0] =	wrdreg $0x0  }
0xa9: {  	s6 =	sshll.u32 s28, $0x1;
	[dreg:$0x2] =	wrdreg s4  }
0xaa: {  	[dreg:$0x3] =	wrdreg s6  }
0xab: {  	[dreg:$0x4] =	wrdreg $0xC0  }
0xac: {  	_ =	task [dreg:s8], $0x5FFFF  }
0xad: {  	[dreg:$0x1] =	wrdreg $0xFFFFFFFF  }
0xae: {  	[dreg:$0x0] =	wrdreg $0x60  }
0xaf: {  	[dreg:$0x2] =	wrdreg s2  }
0xb0: {  	[dreg:$0x3] =	wrdreg s24  }
0xb1: {  	[dreg:$0x4] =	wrdreg s18  }
0xb2: {  	[dreg:$0x5] =	wrdreg $0x9  }
0xb3: {  	_ =	task.clear_ibuf [dreg:s8], $0x6FFFF;
	_ =	strace $0x90000046  }
0xb4: {  	s29 =	simm.s32 $0x9;
	_ =	strace $0x80000048  }
0xb5: {  	_ =	swait.ge [sflag:s29], $0x1  }
0xb6: {  	[sflag:s29] =	ssyncadd.s32 $0xFFFFFFFF  }
0xb7: {  	_ =	strace $0x90000048  }
0xb8: {  	_ =	sfence  }
0xb9: {  	s30 =	sld [smem:$0x0];
	_ =	sdelay $0x2  }
0xba: {  	s31 =	sshll.u32 s1, $0xD;
	s1 =	sshrl.u32 s1, $0x2  }
0xbb: {  	s3 =	sand.u32 $0x4000, s31;
	s1 =	sadd.s32 s1, s30  }
0xbc: {  	s0 =	sor.u32 s3, s0;
	s1 =	sshll.u32 s1, $0x11  }
0xbd: {  	s0 =	sor.u32 s1, s0  }
0xbe: {  	s0 =	sadd.s32 $0x8F2B, s0  }
0xbf: {  	[sflag:s0] =	ssyncadd.remote.s32 $0x1  }
0xc0: {  	_ =	sfence.sel $0xFFFF  }
0xc1: {  	[dreg:$0x0] =	wrdreg $0xFFFFFFFF;
	(pc) =	sbr.abs _section_cstart, $3  }
0xc2: {  	[dreg:$0x1] =	wrdreg $0xFFFFFFFF  }
0xc3: {  	_ =	task.clear_ibuf [dreg:s8], $0x2FFFF;
	_ =	strace $0x9FFFFFFF  }
0xc4: {  	(tm) =	ssettm $0x7FFFFFFF  }
0xc5: {  	_ =	shalt  }
tec
execute0_lowered:
.L_overlay_start_1:
0x0: {  	(tag) =	ssettag $0x1  }
0x1: {  	s0 =	rddreg [dreg:$0x0]  }
0x2: {  	s2 =	rddreg [dreg:$0x1]  }
0x3: {  	s5 =	rddreg [dreg:$0x2]  }
0x4: {  	s1 =	simm.s32 $0x0;
	s6 =	srdreg.scid;
	s8 =	stileid.u32  }
0x5: {  	s28 =	simm.s32 $0x18000;
	s29 =	simm.s32 $0x19000;
	s30 =	simm.s32 $0x80  }
0x6: {  	s31 =	simm.s32 $0x400;
	[smem:$0x7FF] =	sst s1;
	s3 =	sadd.s32 $0x800, s2  }
0x7: {  	s4 =	sadd.s32 $0x8E00, s2;
	s7 =	sadd.s32 $0x600, s2;
	s6 =	sand.u32 $0x1, s6  }
0x8: {  	s8 =	sshll.u32 s8, $0xF;
	s2 =	sadd.s32 $0x8C00, s2;
	_ =	strace $0x80000047  }
0x9: {  	[dreg:$0x4] =	wrdreg s7;
	s14 =	ssub.s32 $0x2, s6;
	s6 =	sshll.u32 s6, $0xE  }
0xa: {  	[dreg:$0x5] =	wrdreg s2;
	s15 =	sshrl.u32 s14, $0x1;
	s6 =	sor.u32 s6, s8  }
0xb: {  	s2 =	ssub.s32 s14, s15;
	s16 =	sor.u32 $0x10, s6;
	s8 =	sor.u32 $0x20, s6  }
0xc: {  	s9 =	sadd.s32 s0, s6;
	s19 =	sadd.s32 s5, s6;
	s21 =	sor.u32 $0x30, s6  }
0xd: {  	s22 =	sor.u32 $0x40, s6;
	s23 =	sor.u32 $0x50, s6;
	[dreg:$0x6] =	wrdreg s9  }
0xe: {  	s26 =	sor.u32 $0x60, s6;
	s17 =	sadd.s32 s0, s16;
	[dreg:$0x9] =	wrdreg s19  }
0xf: {  	s6 =	sor.u32 $0x70, s6;
	s18 =	sadd.s32 s0, s8;
	[dreg:$0x7] =	wrdreg s17  }
0x10: {  	s7 =	sadd.s32 s5, s16;
	s20 =	sadd.s32 s5, s8;
	[dreg:$0x8] =	wrdreg s18  }
0x11: {  	s10 =	sadd.s32 s0, s21;
	s24 =	sadd.s32 s0, s22;
	[dreg:$0xa] =	wrdreg s7  }
0x12: {  	s25 =	sadd.s32 s0, s23;
	s16 =	sadd.s32 s5, s21;
	[dreg:$0xb] =	wrdreg s20  }
0x13: {  	s19 =	sadd.s32 s0, s26;
	s21 =	sadd.s32 s5, s26;
	[dreg:$0xc] =	wrdreg s10  }
0x14: {  	s26 =	simm.s32 $0x8000;
	s8 =	simm.s32 $0x1;
	[dreg:$0xd] =	wrdreg s24  }
0x15: {  	s9 =	simm.s32 $0x2;
	[dreg:$0xe] =	wrdreg s25;
	s17 =	sadd.s32 s5, s22  }
0x16: {  	s18 =	sadd.s32 s5, s23;
	s20 =	sadd.s32 s0, s6;
	s22 =	sadd.s32 s5, s6  }
0x17: {  	s23 =	smax.u32 s2, $0x1;
	s25 =	simm.s32 $0x3;
	s0 =	simm.s32 $0xC000  }
0x18: {  	s2 =	simm.s32 $0x4000;
	s24 =	simm.s32 $0x10000;
	s5 =	simm.s32 $0x14000  }
0x19: {  	v0 =	vimm.f32 $0.0e+00;
	s6 =	simm.s32 $0x1A000;
	s7 =	simm.s32 $0x1B000;
	s10 =	simm.s32 $0x0  }
.LBB2_1:
0x1a: {  	s11 =	rddreg [dreg:$0x4];
	s12 =	simm.s32 $0x1C000  }
0x1b: {  	[tilespmem:s12], [sflag:$0x3] =	stream.linear.gather [hbm4b:s11+s1], $0x680, $0x38;
	[tilespmem:$0x1CD00] =	vst v63  }
0x1c: {  	_ =	swait.ge [sflag:s25], $0x680  }
0x1d: {  	[sflag:s25] =	ssyncset.done $0x0  }
0x1e: {  	s14 =	simm.s32 $0x1C680;
	s13 =	rddreg [dreg:$0x5];
	[sflag:s25] =	ssyncadd.s32 $0xFFFFF980  }
0x1f: {  	[tilespmem:s14], [sflag:$0x3] =	stream.linear.gather [hbm4b:s13+s1], $0x680, $0x38;
	[tilespmem:$0x1CD00] =	vst v63  }
0x20: {  	_ =	swait.ge [sflag:s25], $0x680  }
0x21: {  	[sflag:s25] =	ssyncset.done $0x0  }
0x22: {  	[sflag:s25] =	ssyncadd.s32 $0xFFFFF980  }
0x23: {  	[tilespmem:s28], [sflag:$0x1] =	stream.linear.gather [hbm4b:s3+s1], $0x1000, $0x38;
	[tilespmem:$0x1CD00] =	vst v63  }
0x24: {  	_ = 	snop  }
0x25: {  	[tilespmem:s29], [sflag:$0x1] =	stream.linear.gather [hbm4b:s4+s1], $0x1000, $0x38;
	[tilespmem:$0x1CD00] =	vst v63  }
0x26: {  	s15 =	rddreg [dreg:$0x6]  }
0x27: {  	[tilespmem:s1], [sflag:$0x3] =	stream.strided.gather [hbm4b:s15+s30], $0x4000, s31, s30, $0x38;
	[tilespmem:$0x1CD00] =	vst v63  }
0x28: {  	_ =	swait.ge [sflag:s25], $0x4000  }
0x29: {  	[sflag:s25] =	ssyncset.done $0x0  }
0x2a: {  	s11 =	simm.s32 $0xC020;
	[sflag:s25] =	ssyncadd.s32 $0xFFFFC000  }
0x2b: {  	[tilespmem:s11+$0xFFFFFFE0] =	vst v0  }
0x2c: {  	[tilespmem:s11+$0x10] =	vst v0  }
0x2d: {  	s12 =	simm.s32 $0x0;
	[tilespmem:s11+$0x0] =	vst v0  }
.LBB2_2:
0x2e: {  	s12 =	sadd.s32 $0x40, s12  }
0x2f: {  	[tilespmem:s11+$0xFFFFFFF0] =	vst v0;
	s11 =	sadd.s32 $0x40, s11;
	p0 =	slt.u32 s12, $0x3FC0  }
.Ltmp0:
0x30: {  	[tilespmem:s11+$0xFFFFFFE0] =	vst v0;
	(pc) =	sbr.rel @p0 .LBB2_2-.Ltmp0, $3  }
0x31: {  	_ =	sdelay $0x1  }
0x32: {  	[tilespmem:s11+$0x10] =	vst v0  }
0x33: {  	[tilespmem:s11+$0x0] =	vst v0  }
0x34: {  	[tilespmem:s11+$0xFFFFFFF0] =	vst v0;
	s12 =	simm.s32 $0x0;
	s11 =	simm.s32 $0x40  }
.LBB2_4:
0x35: {  	p0 =	sne.s32 s11, $0x1980;
	v1 =	vld [tilespmem:s12+$0x1C000];
	_ =	sdelay $0x2  }
0x36: {  	v2 =	vld [tilespmem:s12+$0x1C680]  }
.Ltmp1:
0x37: {  	(pc) =	sbr.rel @p0 .LBB2_4-.Ltmp1, $2  }
0x38: {  	_ =	sdelay $0x2  }
0x39: {  	s12 =	sshra.s32 s11, $0x2;
	s11 =	sadd.s32 $0x40, s11;
	[tilespmem:v1+s0+$0x0] =	vst.idx.add.f32.msk $0xffff, v2  }
0x3a: {  	v1 =	vld [tilespmem:s12+$0x1C000];
	_ =	sdelay $0x2  }
0x3b: {  	v2 =	vld [tilespmem:s12+$0x1C680];
	_ =	sdelay $0x4  }
0x3c: {  	s11 =	rddreg [dreg:$0x7];
	[tilespmem:v1+s0+$0x0] =	vst.idx.add.f32.msk $0xffff, v2  }
0x3d: {  	[tilespmem:s2], [sflag:$0x3] =	stream.strided.gather [hbm4b:s11+s30], $0x4000, s31, s30, $0x38;
	[tilespmem:$0x1CD00] =	vst v63  }
0x3e: {  	_ =	swait.ge [sflag:s25], $0x4000  }
0x3f: {  	[sflag:s25] =	ssyncset.done $0x0  }
0x40: {  	s11 =	simm.s32 $0x10020;
	[sflag:s25] =	ssyncadd.s32 $0xFFFFC000  }
0x41: {  	[tilespmem:s11+$0xFFFFFFE0] =	vst v0  }
0x42: {  	[tilespmem:s11+$0x10] =	vst v0  }
0x43: {  	s12 =	simm.s32 $0x0;
	[tilespmem:s11+$0x0] =	vst v0  }
.LBB2_6:
0x44: {  	s12 =	sadd.s32 $0x40, s12  }
0x45: {  	[tilespmem:s11+$0xFFFFFFF0] =	vst v0;
	s11 =	sadd.s32 $0x40, s11;
	p0 =	slt.u32 s12, $0x3FC0  }
.Ltmp2:
0x46: {  	[tilespmem:s11+$0xFFFFFFE0] =	vst v0;
	(pc) =	sbr.rel @p0 .LBB2_6-.Ltmp2, $3  }
0x47: {  	_ =	sdelay $0x1  }
0x48: {  	[tilespmem:s11+$0x10] =	vst v0  }
0x49: {  	[tilespmem:s11+$0x0] =	vst v0  }
0x4a: {  	[tilespmem:s11+$0xFFFFFFF0] =	vst v0;
	s12 =	simm.s32 $0x0;
	s11 =	simm.s32 $0x40  }
.LBB2_8:
0x4b: {  	p0 =	sne.s32 s11, $0x1980;
	v1 =	vld [tilespmem:s12+$0x1C000];
	_ =	sdelay $0x2  }
0x4c: {  	v2 =	vld [tilespmem:s12+$0x1C680]  }
.Ltmp3:
0x4d: {  	(pc) =	sbr.rel @p0 .LBB2_8-.Ltmp3, $2  }
0x4e: {  	_ =	sdelay $0x2  }
0x4f: {  	s12 =	sshra.s32 s11, $0x2;
	s11 =	sadd.s32 $0x40, s11;
	[tilespmem:v1+s24+$0x0] =	vst.idx.add.f32.msk $0xffff, v2  }
0x50: {  	v1 =	vld [tilespmem:s12+$0x1C000];
	_ =	sdelay $0x2  }
0x51: {  	v2 =	vld [tilespmem:s12+$0x1C680];
	_ =	sdelay $0x4  }
0x52: {  	s11 =	rddreg [dreg:$0x8];
	[tilespmem:v1+s24+$0x0] =	vst.idx.add.f32.msk $0xffff, v2  }
0x53: {  	[tilespmem:s26], [sflag:$0x3] =	stream.strided.gather [hbm4b:s11+s30], $0x4000, s31, s30, $0x38;
	[tilespmem:$0x1CD00] =	vst v63  }
0x54: {  	_ =	swait.ge [sflag:s25], $0x4000  }
0x55: {  	[sflag:s25] =	ssyncset.done $0x0  }
0x56: {  	s11 =	simm.s32 $0x14020;
	[sflag:s25] =	ssyncadd.s32 $0xFFFFC000  }
0x57: {  	[tilespmem:s11+$0xFFFFFFE0] =	vst v0  }
0x58: {  	[tilespmem:s11+$0x10] =	vst v0  }
0x59: {  	s12 =	simm.s32 $0x0;
	[tilespmem:s11+$0x0] =	vst v0  }
.LBB2_10:
0x5a: {  	s12 =	sadd.s32 $0x40, s12  }
0x5b: {  	[tilespmem:s11+$0xFFFFFFF0] =	vst v0;
	s11 =	sadd.s32 $0x40, s11;
	p0 =	slt.u32 s12, $0x3FC0  }
.Ltmp4:
0x5c: {  	[tilespmem:s11+$0xFFFFFFE0] =	vst v0;
	(pc) =	sbr.rel @p0 .LBB2_10-.Ltmp4, $3  }
0x5d: {  	_ =	sdelay $0x1  }
0x5e: {  	[tilespmem:s11+$0x10] =	vst v0  }
0x5f: {  	[tilespmem:s11+$0x0] =	vst v0  }
0x60: {  	[tilespmem:s11+$0xFFFFFFF0] =	vst v0;
	s11 =	simm.s32 $0x0;
	s13 =	simm.s32 $0x0;
	s12 =	simm.s32 $0x40  }
.LBB2_12:
0x61: {  	p0 =	sne.s32 s12, $0x1980;
	v1 =	vld [tilespmem:s13+$0x1C000];
	_ =	sdelay $0x2  }
0x62: {  	v2 =	vld [tilespmem:s13+$0x1C680]  }
.Ltmp5:
0x63: {  	(pc) =	sbr.rel @p0 .LBB2_12-.Ltmp5, $2  }
0x64: {  	_ =	sdelay $0x2  }
0x65: {  	s13 =	sshra.s32 s12, $0x2;
	s12 =	sadd.s32 $0x40, s12;
	[tilespmem:v1+s5+$0x0] =	vst.idx.add.f32.msk $0xffff, v2  }
0x66: {  	v1 =	vld [tilespmem:s13+$0x1C000];
	_ =	sdelay $0x2  }
0x67: {  	v2 =	vld [tilespmem:s13+$0x1C680];
	_ =	sdelay $0x4  }
0x68: {  	[tilespmem:v1+s5+$0x0] =	vst.idx.add.f32.msk $0xffff, v2  }
.LBB2_14:
0x69: {  	s12 =	sshll.u32 s11, $0xA  }
0x6a: {  	s13 =	sor.u32 $0x200, s12  }
0x6b: {  	s14 =	sadd.s32 s3, s13  }
0x6c: {  	[tilespmem:s6], [sflag:$0x2] =	stream.linear.gather [hbm4b:s14+s1], $0x1000, $0x38;
	[tilespmem:$0x1CD00] =	vst v63  }
0x6d: {  	s13 =	sadd.s32 s4, s13  }
0x6e: {  	[tilespmem:s7], [sflag:$0x2] =	stream.linear.gather [hbm4b:s13+s1], $0x1000, $0x38;
	[tilespmem:$0x1CD00] =	vst v63  }
0x6f: {  	_ =	swait.ge [sflag:s8], $0x1000  }
0x70: {  	[sflag:s8] =	ssyncset.done $0x0  }
0x71: {  	[sflag:s8] =	ssyncadd.s32 $0xFFFFF000  }
0x72: {  	_ =	swait.ge [sflag:s8], $0x1000  }
0x73: {  	[sflag:s8] =	ssyncset.done $0x0  }
0x74: {  	s15 =	simm.s32 $0x18020;
	[sflag:s8] =	ssyncadd.s32 $0xFFFFF000  }
0x75: {  	v4 =	vld [tilespmem:s15+$0x10];
	_ =	sdelay $0x2  }
0x76: {  	v6 =	vld [tilespmem:s15+$0xFFFFFFE0]  }
0x77: {  	v5 =	vld [tilespmem:s15+$0xFFFFFFF0]  }
0x78: {  	v13 =	vld [tilespmem:s15+$0x0];
	v12 =	vand.u32 $0x3FFF, v4;
	_ =	sdelay $0x2  }
0x79: {  	s13 =	simm.s32 $0x19020;
	v2 =	vand.u32 $0x3FFF, v6  }
0x7a: {  	v10 =	vld [tilespmem:s13+$0x10];
	v1 =	vand.u32 $0x3FFF, v5  }
0x7b: {  	v3 =	vand.u32 $0x3FFF, v13;
	v9 =	vld.idx.msk [tilespmem:v12+s1+$0x0], $0xffff  }
0x7c: {  	v8 =	vld [tilespmem:s13+$0xFFFFFFE0]  }
0x7d: {  	v7 =	vld [tilespmem:s13+$0xFFFFFFF0];
	v11 =	vshra.s32 v4, $0xE  }
0x7e: {  	v15 =	vld.idx.msk [tilespmem:v2+s1+$0x0], $0xffff  }
0x7f: {  	v14 =	vld.idx.msk [tilespmem:v1+s1+$0x0], $0xffff  }
0x80: {  	v4 =	vshra.s32 v6, $0xE;
	v16 =	vld.idx.msk [tilespmem:v3+s1+$0x0], $0xffff;
	v6 =	vmul.f32 v9, v10  }
0x81: {  	v5 =	vshra.s32 v5, $0xE;
	v9 =	vld [tilespmem:s13+$0x0]  }
0x82: {  	[tilespmem:v11+s0+$0x0] =	vst.idx.add.f32.msk $0xffff, v6  }
0x83: {  	v15 =	vmul.f32 v15, v8;
	v6 =	vshra.s32 v13, $0xE;
	v13 =	vld.idx.msk [tilespmem:v12+s2+$0x0], $0xffff  }
0x84: {  	v14 =	vmul.f32 v14, v7  }
0x85: {  	[tilespmem:v4+s0+$0x0] =	vst.idx.add.f32.msk $0xffff, v15  }
0x86: {  	[tilespmem:v5+s0+$0x0] =	vst.idx.add.f32.msk $0xffff, v14;
	v15 =	vmul.f32 v16, v9  }
0x87: {  	v16 =	vld.idx.msk [tilespmem:v2+s2+$0x0], $0xffff  }
0x88: {  	[tilespmem:v6+s0+$0x0] =	vst.idx.add.f32.msk $0xffff, v15;
	v14 =	vmul.f32 v13, v10  }
0x89: {  	v13 =	vld.idx.msk [tilespmem:v1+s2+$0x0], $0xffff  }
0x8a: {  	[tilespmem:v11+s24+$0x0] =	vst.idx.add.f32.msk $0xffff, v14  }
0x8b: {  	v12 =	vld.idx.msk [tilespmem:v12+s26+$0x0], $0xffff  }
0x8c: {  	v14 =	vld.idx.msk [tilespmem:v3+s2+$0x0], $0xffff  }
0x8d: {  	s14 =	simm.s32 $0x0;
	s15 =	simm.s32 $0x18060;
	v15 =	vmul.f32 v16, v8  }
.LBB2_15:
0x8e: {  	v16 =	vld [tilespmem:s15+$0x10];
	s14 =	sadd.s32 $0x40, s14;
	v13 =	vmul.f32 v13, v7  }
0x8f: {  	v17 =	vld [tilespmem:s15+$0xFFFFFFF0];
	p0 =	slt.u32 s14, $0xFC0  }
0x90: {  	v10 =	vmul.f32 v12, v10;
	v18 =	vld [tilespmem:s15+$0x0]  }
0x91: {  	v14 =	vmul.f32 v14, v9;
	v12 =	vld [tilespmem:s15+$0xFFFFFFE0]  }
0x92: {  	[tilespmem:v11+s5+$0x0] =	vst.idx.add.f32.msk $0xffff, v10  }
0x93: {  	v19 =	vand.u32 $0x3FFF, v16;
	[tilespmem:v4+s24+$0x0] =	vst.idx.add.f32.msk $0xffff, v15  }
0x94: {  	v15 =	vshra.s32 v17, $0xE;
	v11 =	vand.u32 $0x3FFF, v17;
	[tilespmem:v5+s24+$0x0] =	vst.idx.add.f32.msk $0xffff, v13  }
0x95: {  	v17 =	vshra.s32 v18, $0xE;
	v13 =	vand.u32 $0x3FFF, v18;
	[tilespmem:v6+s24+$0x0] =	vst.idx.add.f32.msk $0xffff, v14  }
0x96: {  	v14 =	vshra.s32 v12, $0xE;
	v18 =	vld.idx.msk [tilespmem:v2+s26+$0x0], $0xffff;
	v2 =	vand.u32 $0x3FFF, v12  }
0x97: {  	v12 =	vld.idx.msk [tilespmem:v1+s26+$0x0], $0xffff;
	v1 =	vmov v11  }
0x98: {  	s13 =	sadd.s32 $0x40, s13;
	v20 =	vld.idx.msk [tilespmem:v19+s1+$0x0], $0xffff  }
0x99: {  	v10 =	vld [tilespmem:s13+$0x10]  }
0x9a: {  	v21 =	vld.idx.msk [tilespmem:v11+s1+$0x0], $0xffff  }
0x9b: {  	v11 =	vshra.s32 v16, $0xE;
	v22 =	vld.idx.msk [tilespmem:v2+s1+$0x0], $0xffff  }
0x9c: {  	v18 =	vmul.f32 v18, v8;
	v16 =	vld.idx.msk [tilespmem:v13+s1+$0x0], $0xffff  }
0x9d: {  	v23 =	vmul.f32 v12, v7;
	v8 =	vld [tilespmem:s13+$0xFFFFFFE0]  }
0x9e: {  	v7 =	vld [tilespmem:s13+$0xFFFFFFF0];
	v12 =	vmul.f32 v20, v10  }
0x9f: {  	v20 =	vld [tilespmem:s13+$0x0]  }
0xa0: {  	[tilespmem:v11+s0+$0x0] =	vst.idx.add.f32.msk $0xffff, v12  }
0xa1: {  	v12 =	vld.idx.msk [tilespmem:v19+s2+$0x0], $0xffff  }
0xa2: {  	v22 =	vmul.f32 v22, v8;
	v24 =	vld.idx.msk [tilespmem:v3+s26+$0x0], $0xffff;
	v3 =	vmov v13  }
0xa3: {  	v13 =	vmul.f32 v21, v7;
	[tilespmem:v4+s5+$0x0] =	vst.idx.add.f32.msk $0xffff, v18;
	v4 =	vmov v14  }
0xa4: {  	[tilespmem:v14+s0+$0x0] =	vst.idx.add.f32.msk $0xffff, v22;
	v14 =	vmul.f32 v16, v20  }
0xa5: {  	[tilespmem:v15+s0+$0x0] =	vst.idx.add.f32.msk $0xffff, v13  }
0xa6: {  	[tilespmem:v17+s0+$0x0] =	vst.idx.add.f32.msk $0xffff, v14  }
0xa7: {  	v12 =	vmul.f32 v12, v10;
	v16 =	vld.idx.msk [tilespmem:v2+s2+$0x0], $0xffff  }
0xa8: {  	v18 =	vmul.f32 v24, v9;
	v9 =	vmov v20;
	v13 =	vld.idx.msk [tilespmem:v1+s2+$0x0], $0xffff  }
.Ltmp6:
0xa9: {  	[tilespmem:v11+s24+$0x0] =	vst.idx.add.f32.msk $0xffff, v12;
	(pc) =	sbr.rel @p0 .LBB2_15-.Ltmp6, $4  }
0xaa: {  	v12 =	vld.idx.msk [tilespmem:v19+s26+$0x0], $0xffff  }
0xab: {  	v14 =	vld.idx.msk [tilespmem:v3+s2+$0x0], $0xffff  }
0xac: {  	[tilespmem:v5+s5+$0x0] =	vst.idx.add.f32.msk $0xffff, v23;
	v5 =	vmov v15  }
0xad: {  	s15 =	sadd.s32 $0x40, s15;
	v15 =	vmul.f32 v16, v8;
	[tilespmem:v6+s5+$0x0] =	vst.idx.add.f32.msk $0xffff, v18;
	v6 =	vmov v17  }
0xae: {  	_ =	sdelay $0x2  }
0xaf: {  	v13 =	vmul.f32 v13, v7  }
0xb0: {  	[tilespmem:v4+s24+$0x0] =	vst.idx.add.f32.msk $0xffff, v15  }
0xb1: {  	[tilespmem:v5+s24+$0x0] =	vst.idx.add.f32.msk $0xffff, v13  }
0xb2: {  	v14 =	vmul.f32 v14, v9;
	v2 =	vld.idx.msk [tilespmem:v2+s26+$0x0], $0xffff  }
0xb3: {  	v1 =	vld.idx.msk [tilespmem:v1+s26+$0x0], $0xffff  }
0xb4: {  	[tilespmem:v6+s24+$0x0] =	vst.idx.add.f32.msk $0xffff, v14  }
0xb5: {  	v3 =	vld.idx.msk [tilespmem:v3+s26+$0x0], $0xffff;
	_ =	sdelay $0x1  }
0xb6: {  	v10 =	vmul.f32 v12, v10  }
0xb7: {  	v2 =	vmul.f32 v2, v8  }
0xb8: {  	[tilespmem:v11+s5+$0x0] =	vst.idx.add.f32.msk $0xffff, v10;
	v1 =	vmul.f32 v1, v7  }
0xb9: {  	p0 =	seq.s32 s11, $0x20;
	[tilespmem:v4+s5+$0x0] =	vst.idx.add.f32.msk $0xffff, v2;
	v2 =	vmul.f32 v3, v9  }
0xba: {  	s12 =	sadd.s32 @!p0 $0x400, s12;
	[tilespmem:v5+s5+$0x0] =	vst.idx.add.f32.msk $0xffff, v1  }
0xbb: {  	s14 =	simm.s32 @!p0 $0x0;
	s15 =	simm.s32 @!p0 $0x18000;
	s13 =	sadd.s32 @!p0 s3, s12;
	[tilespmem:v6+s5+$0x0] =	vst.idx.add.f32.msk $0xffff, v2  }
0xbc: {  	[tilespmem:s15], [sflag:$0x1] =	stream.linear.gather @!p0 [hbm4b:s13+s14], $0x1000, $0x38;
	[tilespmem:$0x1CD00] =	vst v63  }
0xbd: {  	s12 =	sadd.s32 @!p0 s4, s12;
	s13 =	simm.s32 @!p0 $0x19000  }
0xbe: {  	[tilespmem:s13], [sflag:$0x1] =	stream.linear.gather @!p0 [hbm4b:s12+s14], $0x1000, $0x38;
	[tilespmem:$0x1CD00] =	vst v63  }
0xbf: {  	_ =	swait.ge [sflag:s9], $0x1000  }
0xc0: {  	[sflag:s9] =	ssyncset.done $0x0  }
0xc1: {  	[sflag:s9] =	ssyncadd.s32 $0xFFFFF000  }
0xc2: {  	_ =	swait.ge [sflag:s9], $0x1000  }
0xc3: {  	[sflag:s9] =	ssyncset.done $0x0  }
0xc4: {  	s15 =	simm.s32 $0x1A020;
	[sflag:s9] =	ssyncadd.s32 $0xFFFFF000  }
0xc5: {  	v4 =	vld [tilespmem:s15+$0x10];
	_ =	sdelay $0x2  }
0xc6: {  	v6 =	vld [tilespmem:s15+$0xFFFFFFE0]  }
0xc7: {  	v5 =	vld [tilespmem:s15+$0xFFFFFFF0]  }
0xc8: {  	v13 =	vld [tilespmem:s15+$0x0];
	v12 =	vand.u32 $0x3FFF, v4;
	_ =	sdelay $0x2  }
0xc9: {  	s12 =	simm.s32 $0x1B020;
	v2 =	vand.u32 $0x3FFF, v6  }
0xca: {  	v10 =	vld [tilespmem:s12+$0x10];
	v1 =	vand.u32 $0x3FFF, v5  }
0xcb: {  	v3 =	vand.u32 $0x3FFF, v13;
	v9 =	vld.idx.msk [tilespmem:v12+s1+$0x0], $0xffff  }
0xcc: {  	v8 =	vld [tilespmem:s12+$0xFFFFFFE0]  }
0xcd: {  	v7 =	vld [tilespmem:s12+$0xFFFFFFF0];
	v11 =	vshra.s32 v4, $0xE  }
0xce: {  	v15 =	vld.idx.msk [tilespmem:v2+s1+$0x0], $0xffff  }
0xcf: {  	v14 =	vld.idx.msk [tilespmem:v1+s1+$0x0], $0xffff  }
0xd0: {  	v4 =	vshra.s32 v6, $0xE;
	v16 =	vld.idx.msk [tilespmem:v3+s1+$0x0], $0xffff;
	v6 =	vmul.f32 v9, v10  }
0xd1: {  	v5 =	vshra.s32 v5, $0xE;
	v9 =	vld [tilespmem:s12+$0x0]  }
0xd2: {  	[tilespmem:v11+s0+$0x0] =	vst.idx.add.f32.msk $0xffff, v6  }
0xd3: {  	v15 =	vmul.f32 v15, v8;
	v6 =	vshra.s32 v13, $0xE;
	v13 =	vld.idx.msk [tilespmem:v12+s2+$0x0], $0xffff  }
0xd4: {  	v14 =	vmul.f32 v14, v7  }
0xd5: {  	[tilespmem:v4+s0+$0x0] =	vst.idx.add.f32.msk $0xffff, v15  }
0xd6: {  	[tilespmem:v5+s0+$0x0] =	vst.idx.add.f32.msk $0xffff, v14;
	v15 =	vmul.f32 v16, v9  }
0xd7: {  	v16 =	vld.idx.msk [tilespmem:v2+s2+$0x0], $0xffff  }
0xd8: {  	[tilespmem:v6+s0+$0x0] =	vst.idx.add.f32.msk $0xffff, v15;
	v14 =	vmul.f32 v13, v10  }
0xd9: {  	v13 =	vld.idx.msk [tilespmem:v1+s2+$0x0], $0xffff  }
0xda: {  	[tilespmem:v11+s24+$0x0] =	vst.idx.add.f32.msk $0xffff, v14  }
0xdb: {  	v12 =	vld.idx.msk [tilespmem:v12+s26+$0x0], $0xffff  }
0xdc: {  	v14 =	vld.idx.msk [tilespmem:v3+s2+$0x0], $0xffff  }
0xdd: {  	s13 =	simm.s32 $0x0;
	s14 =	simm.s32 $0x1A060;
	v15 =	vmul.f32 v16, v8  }
.LBB2_17:
0xde: {  	v16 =	vld [tilespmem:s14+$0x10];
	s13 =	sadd.s32 $0x40, s13;
	v13 =	vmul.f32 v13, v7  }
0xdf: {  	v17 =	vld [tilespmem:s14+$0xFFFFFFF0];
	p0 =	slt.u32 s13, $0xFC0  }
0xe0: {  	v10 =	vmul.f32 v12, v10;
	v18 =	vld [tilespmem:s14+$0x0]  }
0xe1: {  	v14 =	vmul.f32 v14, v9;
	v12 =	vld [tilespmem:s14+$0xFFFFFFE0]  }
0xe2: {  	[tilespmem:v11+s5+$0x0] =	vst.idx.add.f32.msk $0xffff, v10  }
0xe3: {  	v19 =	vand.u32 $0x3FFF, v16;
	[tilespmem:v4+s24+$0x0] =	vst.idx.add.f32.msk $0xffff, v15  }
0xe4: {  	v15 =	vshra.s32 v17, $0xE;
	v11 =	vand.u32 $0x3FFF, v17;
	[tilespmem:v5+s24+$0x0] =	vst.idx.add.f32.msk $0xffff, v13  }
0xe5: {  	v17 =	vshra.s32 v18, $0xE;
	v13 =	vand.u32 $0x3FFF, v18;
	[tilespmem:v6+s24+$0x0] =	vst.idx.add.f32.msk $0xffff, v14  }
0xe6: {  	v14 =	vshra.s32 v12, $0xE;
	v18 =	vld.idx.msk [tilespmem:v2+s26+$0x0], $0xffff;
	v2 =	vand.u32 $0x3FFF, v12  }
0xe7: {  	v12 =	vld.idx.msk [tilespmem:v1+s26+$0x0], $0xffff;
	v1 =	vmov v11  }
0xe8: {  	s12 =	sadd.s32 $0x40, s12;
	v20 =	vld.idx.msk [tilespmem:v19+s1+$0x0], $0xffff  }
0xe9: {  	v10 =	vld [tilespmem:s12+$0x10]  }
0xea: {  	v21 =	vld.idx.msk [tilespmem:v11+s1+$0x0], $0xffff  }
0xeb: {  	v11 =	vshra.s32 v16, $0xE;
	v22 =	vld.idx.msk [tilespmem:v2+s1+$0x0], $0xffff  }
0xec: {  	v18 =	vmul.f32 v18, v8;
	v16 =	vld.idx.msk [tilespmem:v13+s1+$0x0], $0xffff  }
0xed: {  	v23 =	vmul.f32 v12, v7;
	v8 =	vld [tilespmem:s12+$0xFFFFFFE0]  }
0xee: {  	v7 =	vld [tilespmem:s12+$0xFFFFFFF0];
	v12 =	vmul.f32 v20, v10  }
0xef: {  	v20 =	vld [tilespmem:s12+$0x0]  }
0xf0: {  	[tilespmem:v11+s0+$0x0] =	vst.idx.add.f32.msk $0xffff, v12  }
0xf1: {  	v12 =	vld.idx.msk [tilespmem:v19+s2+$0x0], $0xffff  }
0xf2: {  	v22 =	vmul.f32 v22, v8;
	v24 =	vld.idx.msk [tilespmem:v3+s26+$0x0], $0xffff;
	v3 =	vmov v13  }
0xf3: {  	v13 =	vmul.f32 v21, v7;
	[tilespmem:v4+s5+$0x0] =	vst.idx.add.f32.msk $0xffff, v18;
	v4 =	vmov v14  }
0xf4: {  	[tilespmem:v14+s0+$0x0] =	vst.idx.add.f32.msk $0xffff, v22;
	v14 =	vmul.f32 v16, v20  }
0xf5: {  	[tilespmem:v15+s0+$0x0] =	vst.idx.add.f32.msk $0xffff, v13  }
0xf6: {  	[tilespmem:v17+s0+$0x0] =	vst.idx.add.f32.msk $0xffff, v14  }
0xf7: {  	v12 =	vmul.f32 v12, v10;
	v16 =	vld.idx.msk [tilespmem:v2+s2+$0x0], $0xffff  }
0xf8: {  	v18 =	vmul.f32 v24, v9;
	v9 =	vmov v20;
	v13 =	vld.idx.msk [tilespmem:v1+s2+$0x0], $0xffff  }
.Ltmp7:
0xf9: {  	[tilespmem:v11+s24+$0x0] =	vst.idx.add.f32.msk $0xffff, v12;
	(pc) =	sbr.rel @p0 .LBB2_17-.Ltmp7, $4  }
0xfa: {  	v12 =	vld.idx.msk [tilespmem:v19+s26+$0x0], $0xffff  }
0xfb: {  	v14 =	vld.idx.msk [tilespmem:v3+s2+$0x0], $0xffff  }
0xfc: {  	[tilespmem:v5+s5+$0x0] =	vst.idx.add.f32.msk $0xffff, v23;
	v5 =	vmov v15  }
0xfd: {  	s14 =	sadd.s32 $0x40, s14;
	v15 =	vmul.f32 v16, v8;
	[tilespmem:v6+s5+$0x0] =	vst.idx.add.f32.msk $0xffff, v18;
	v6 =	vmov v17  }
0xfe: {  	_ =	sdelay $0x2  }
0xff: {  	v13 =	vmul.f32 v13, v7  }
0x100: {  	[tilespmem:v4+s24+$0x0] =	vst.idx.add.f32.msk $0xffff, v15  }
0x101: {  	[tilespmem:v5+s24+$0x0] =	vst.idx.add.f32.msk $0xffff, v13  }
0x102: {  	v14 =	vmul.f32 v14, v9;
	v2 =	vld.idx.msk [tilespmem:v2+s26+$0x0], $0xffff  }
0x103: {  	v1 =	vld.idx.msk [tilespmem:v1+s26+$0x0], $0xffff  }
0x104: {  	[tilespmem:v6+s24+$0x0] =	vst.idx.add.f32.msk $0xffff, v14  }
0x105: {  	v3 =	vld.idx.msk [tilespmem:v3+s26+$0x0], $0xffff  }
0x106: {  	s11 =	sadd.s32 $0x1, s11  }
0x107: {  	v10 =	vmul.f32 v12, v10;
	p0 =	sne.s32 s11, $0x21  }
.Ltmp8:
0x108: {  	v2 =	vmul.f32 v2, v8;
	(pc) =	sbr.rel @p0 .LBB2_14-.Ltmp8, $4  }
0x109: {  	[tilespmem:v11+s5+$0x0] =	vst.idx.add.f32.msk $0xffff, v10;
	v1 =	vmul.f32 v1, v7  }
0x10a: {  	[tilespmem:v4+s5+$0x0] =	vst.idx.add.f32.msk $0xffff, v2;
	v2 =	vmul.f32 v3, v9  }
0x10b: {  	[tilespmem:v5+s5+$0x0] =	vst.idx.add.f32.msk $0xffff, v1  }
0x10c: {  	[tilespmem:v6+s5+$0x0] =	vst.idx.add.f32.msk $0xffff, v2  }
0x10d: {  	s11 =	rddreg [dreg:$0x9]  }
0x10e: {  	[hbm4b:s11+s30] =	stream.strided.scatter [tilespmem:s0], [sflag:$0x3], $0x4000, s31, s30, $0x38;
	[tilespmem:$0x1CD00] =	vst v63  }
0x10f: {  	_ =	swait.ge [sflag:s25], $0x4000  }
0x110: {  	[sflag:s25] =	ssyncset.done $0x0  }
0x111: {  	s13 =	rddreg [dreg:$0xa];
	[sflag:s25] =	ssyncadd.s32 $0xFFFFC000  }
0x112: {  	[hbm4b:s13+s30] =	stream.strided.scatter [tilespmem:s24], [sflag:$0x3], $0x4000, s31, s30, $0x38;
	[tilespmem:$0x1CD00] =	vst v63  }
0x113: {  	_ =	swait.ge [sflag:s25], $0x4000  }
0x114: {  	[sflag:s25] =	ssyncset.done $0x0  }
0x115: {  	s14 =	rddreg [dreg:$0xb];
	[sflag:s25] =	ssyncadd.s32 $0xFFFFC000  }
0x116: {  	[hbm4b:s14+s30] =	stream.strided.scatter [tilespmem:s5], [sflag:$0x3], $0x4000, s31, s30, $0x38;
	[tilespmem:$0x1CD00] =	vst v63  }
0x117: {  	_ =	swait.ge [sflag:s25], $0x4000  }
0x118: {  	[sflag:s25] =	ssyncset.done $0x0  }
0x119: {  	[sflag:s25] =	ssyncadd.s32 $0xFFFFC000  }
0x11a: {  	[tilespmem:s28], [sflag:$0x1] =	stream.linear.gather [hbm4b:s3+s1], $0x1000, $0x38;
	[tilespmem:$0x1CD00] =	vst v63  }
0x11b: {  	_ = 	snop  }
0x11c: {  	[tilespmem:s29], [sflag:$0x1] =	stream.linear.gather [hbm4b:s4+s1], $0x1000, $0x38;
	[tilespmem:$0x1CD00] =	vst v63  }
0x11d: {  	s15 =	rddreg [dreg:$0xc]  }
0x11e: {  	[tilespmem:s1], [sflag:$0x3] =	stream.strided.gather [hbm4b:s15+s30], $0x4000, s31, s30, $0x38;
	[tilespmem:$0x1CD00] =	vst v63  }
0x11f: {  	_ =	swait.ge [sflag:s25], $0x4000  }
0x120: {  	[sflag:s25] =	ssyncset.done $0x0  }
0x121: {  	s11 =	simm.s32 $0xC020;
	[sflag:s25] =	ssyncadd.s32 $0xFFFFC000  }
0x122: {  	[tilespmem:s11+$0xFFFFFFE0] =	vst v0  }
0x123: {  	[tilespmem:s11+$0x10] =	vst v0  }
0x124: {  	s12 =	simm.s32 $0x0;
	[tilespmem:s11+$0x0] =	vst v0  }
.LBB2_20:
0x125: {  	s12 =	sadd.s32 $0x40, s12  }
0x126: {  	[tilespmem:s11+$0xFFFFFFF0] =	vst v0;
	s11 =	sadd.s32 $0x40, s11;
	p0 =	slt.u32 s12, $0x3FC0  }
.Ltmp9:
0x127: {  	[tilespmem:s11+$0xFFFFFFE0] =	vst v0;
	(pc) =	sbr.rel @p0 .LBB2_20-.Ltmp9, $3  }
0x128: {  	_ =	sdelay $0x1  }
0x129: {  	[tilespmem:s11+$0x10] =	vst v0  }
0x12a: {  	[tilespmem:s11+$0x0] =	vst v0  }
0x12b: {  	[tilespmem:s11+$0xFFFFFFF0] =	vst v0;
	s12 =	simm.s32 $0x0;
	s11 =	simm.s32 $0x40  }
.LBB2_22:
0x12c: {  	p0 =	sne.s32 s11, $0x1980;
	v1 =	vld [tilespmem:s12+$0x1C000];
	_ =	sdelay $0x2  }
0x12d: {  	v2 =	vld [tilespmem:s12+$0x1C680]  }
.Ltmp10:
0x12e: {  	(pc) =	sbr.rel @p0 .LBB2_22-.Ltmp10, $2  }
0x12f: {  	_ =	sdelay $0x2  }
0x130: {  	s12 =	sshra.s32 s11, $0x2;
	s11 =	sadd.s32 $0x40, s11;
	[tilespmem:v1+s0+$0x0] =	vst.idx.add.f32.msk $0xffff, v2  }
0x131: {  	v1 =	vld [tilespmem:s12+$0x1C000];
	_ =	sdelay $0x2  }
0x132: {  	v2 =	vld [tilespmem:s12+$0x1C680];
	_ =	sdelay $0x4  }
0x133: {  	s11 =	rddreg [dreg:$0xd];
	[tilespmem:v1+s0+$0x0] =	vst.idx.add.f32.msk $0xffff, v2  }
0x134: {  	[tilespmem:s2], [sflag:$0x3] =	stream.strided.gather [hbm4b:s11+s30], $0x4000, s31, s30, $0x38;
	[tilespmem:$0x1CD00] =	vst v63  }
0x135: {  	_ =	swait.ge [sflag:s25], $0x4000  }
0x136: {  	[sflag:s25] =	ssyncset.done $0x0  }
0x137: {  	s11 =	simm.s32 $0x10020;
	[sflag:s25] =	ssyncadd.s32 $0xFFFFC000  }
0x138: {  	[tilespmem:s11+$0xFFFFFFE0] =	vst v0  }
0x139: {  	[tilespmem:s11+$0x10] =	vst v0  }
0x13a: {  	s12 =	simm.s32 $0x0;
	[tilespmem:s11+$0x0] =	vst v0  }
.LBB2_24:
0x13b: {  	s12 =	sadd.s32 $0x40, s12  }
0x13c: {  	[tilespmem:s11+$0xFFFFFFF0] =	vst v0;
	s11 =	sadd.s32 $0x40, s11;
	p0 =	slt.u32 s12, $0x3FC0  }
.Ltmp11:
0x13d: {  	[tilespmem:s11+$0xFFFFFFE0] =	vst v0;
	(pc) =	sbr.rel @p0 .LBB2_24-.Ltmp11, $3  }
0x13e: {  	_ =	sdelay $0x1  }
0x13f: {  	[tilespmem:s11+$0x10] =	vst v0  }
0x140: {  	[tilespmem:s11+$0x0] =	vst v0  }
0x141: {  	[tilespmem:s11+$0xFFFFFFF0] =	vst v0;
	s12 =	simm.s32 $0x0;
	s11 =	simm.s32 $0x40  }
.LBB2_26:
0x142: {  	p0 =	sne.s32 s11, $0x1980;
	v1 =	vld [tilespmem:s12+$0x1C000];
	_ =	sdelay $0x2  }
0x143: {  	v2 =	vld [tilespmem:s12+$0x1C680]  }
.Ltmp12:
0x144: {  	(pc) =	sbr.rel @p0 .LBB2_26-.Ltmp12, $2  }
0x145: {  	_ =	sdelay $0x2  }
0x146: {  	s12 =	sshra.s32 s11, $0x2;
	s11 =	sadd.s32 $0x40, s11;
	[tilespmem:v1+s24+$0x0] =	vst.idx.add.f32.msk $0xffff, v2  }
0x147: {  	v1 =	vld [tilespmem:s12+$0x1C000];
	_ =	sdelay $0x2  }
0x148: {  	v2 =	vld [tilespmem:s12+$0x1C680];
	_ =	sdelay $0x4  }
0x149: {  	s11 =	rddreg [dreg:$0xe];
	[tilespmem:v1+s24+$0x0] =	vst.idx.add.f32.msk $0xffff, v2  }
0x14a: {  	[tilespmem:s26], [sflag:$0x3] =	stream.strided.gather [hbm4b:s11+s30], $0x4000, s31, s30, $0x38;
	[tilespmem:$0x1CD00] =	vst v63  }
0x14b: {  	_ =	swait.ge [sflag:s25], $0x4000  }
0x14c: {  	[sflag:s25] =	ssyncset.done $0x0  }
0x14d: {  	s11 =	simm.s32 $0x14020;
	[sflag:s25] =	ssyncadd.s32 $0xFFFFC000  }
0x14e: {  	[tilespmem:s11+$0xFFFFFFE0] =	vst v0  }
0x14f: {  	[tilespmem:s11+$0x10] =	vst v0  }
0x150: {  	s12 =	simm.s32 $0x0;
	[tilespmem:s11+$0x0] =	vst v0  }
.LBB2_28:
0x151: {  	s12 =	sadd.s32 $0x40, s12  }
0x152: {  	[tilespmem:s11+$0xFFFFFFF0] =	vst v0;
	s11 =	sadd.s32 $0x40, s11;
	p0 =	slt.u32 s12, $0x3FC0  }
.Ltmp13:
0x153: {  	[tilespmem:s11+$0xFFFFFFE0] =	vst v0;
	(pc) =	sbr.rel @p0 .LBB2_28-.Ltmp13, $3  }
0x154: {  	_ =	sdelay $0x1  }
0x155: {  	[tilespmem:s11+$0x10] =	vst v0  }
0x156: {  	[tilespmem:s11+$0x0] =	vst v0  }
0x157: {  	[tilespmem:s11+$0xFFFFFFF0] =	vst v0;
	s11 =	simm.s32 $0x0;
	s13 =	simm.s32 $0x0;
	s12 =	simm.s32 $0x40  }
.LBB2_30:
0x158: {  	p0 =	sne.s32 s12, $0x1980;
	v1 =	vld [tilespmem:s13+$0x1C000];
	_ =	sdelay $0x2  }
0x159: {  	v2 =	vld [tilespmem:s13+$0x1C680]  }
.Ltmp14:
0x15a: {  	(pc) =	sbr.rel @p0 .LBB2_30-.Ltmp14, $2  }
0x15b: {  	_ =	sdelay $0x2  }
0x15c: {  	s13 =	sshra.s32 s12, $0x2;
	s12 =	sadd.s32 $0x40, s12;
	[tilespmem:v1+s5+$0x0] =	vst.idx.add.f32.msk $0xffff, v2  }
0x15d: {  	v1 =	vld [tilespmem:s13+$0x1C000];
	_ =	sdelay $0x2  }
0x15e: {  	v2 =	vld [tilespmem:s13+$0x1C680];
	_ =	sdelay $0x4  }
0x15f: {  	[tilespmem:v1+s5+$0x0] =	vst.idx.add.f32.msk $0xffff, v2  }
.LBB2_32:
0x160: {  	s12 =	sshll.u32 s11, $0xA  }
0x161: {  	s13 =	sor.u32 $0x200, s12  }
0x162: {  	s14 =	sadd.s32 s3, s13  }
0x163: {  	[tilespmem:s6], [sflag:$0x2] =	stream.linear.gather [hbm4b:s14+s1], $0x1000, $0x38;
	[tilespmem:$0x1CD00] =	vst v63  }
0x164: {  	s13 =	sadd.s32 s4, s13  }
0x165: {  	[tilespmem:s7], [sflag:$0x2] =	stream.linear.gather [hbm4b:s13+s1], $0x1000, $0x38;
	[tilespmem:$0x1CD00] =	vst v63  }
0x166: {  	_ =	swait.ge [sflag:s8], $0x1000  }
0x167: {  	[sflag:s8] =	ssyncset.done $0x0  }
0x168: {  	[sflag:s8] =	ssyncadd.s32 $0xFFFFF000  }
0x169: {  	_ =	swait.ge [sflag:s8], $0x1000  }
0x16a: {  	[sflag:s8] =	ssyncset.done $0x0  }
0x16b: {  	s15 =	simm.s32 $0x18020;
	[sflag:s8] =	ssyncadd.s32 $0xFFFFF000  }
0x16c: {  	v4 =	vld [tilespmem:s15+$0x10];
	_ =	sdelay $0x2  }
0x16d: {  	v6 =	vld [tilespmem:s15+$0xFFFFFFE0]  }
0x16e: {  	v5 =	vld [tilespmem:s15+$0xFFFFFFF0]  }
0x16f: {  	v13 =	vld [tilespmem:s15+$0x0];
	v12 =	vand.u32 $0x3FFF, v4;
	_ =	sdelay $0x2  }
0x170: {  	s13 =	simm.s32 $0x19020;
	v2 =	vand.u32 $0x3FFF, v6  }
0x171: {  	v10 =	vld [tilespmem:s13+$0x10];
	v1 =	vand.u32 $0x3FFF, v5  }
0x172: {  	v3 =	vand.u32 $0x3FFF, v13;
	v9 =	vld.idx.msk [tilespmem:v12+s1+$0x0], $0xffff  }
0x173: {  	v8 =	vld [tilespmem:s13+$0xFFFFFFE0]  }
0x174: {  	v7 =	vld [tilespmem:s13+$0xFFFFFFF0];
	v11 =	vshra.s32 v4, $0xE  }
0x175: {  	v15 =	vld.idx.msk [tilespmem:v2+s1+$0x0], $0xffff  }
0x176: {  	v14 =	vld.idx.msk [tilespmem:v1+s1+$0x0], $0xffff  }
0x177: {  	v4 =	vshra.s32 v6, $0xE;
	v16 =	vld.idx.msk [tilespmem:v3+s1+$0x0], $0xffff;
	v6 =	vmul.f32 v9, v10  }
0x178: {  	v5 =	vshra.s32 v5, $0xE;
	v9 =	vld [tilespmem:s13+$0x0]  }
0x179: {  	[tilespmem:v11+s0+$0x0] =	vst.idx.add.f32.msk $0xffff, v6  }
0x17a: {  	v15 =	vmul.f32 v15, v8;
	v6 =	vshra.s32 v13, $0xE;
	v13 =	vld.idx.msk [tilespmem:v12+s2+$0x0], $0xffff  }
0x17b: {  	v14 =	vmul.f32 v14, v7  }
0x17c: {  	[tilespmem:v4+s0+$0x0] =	vst.idx.add.f32.msk $0xffff, v15  }
0x17d: {  	[tilespmem:v5+s0+$0x0] =	vst.idx.add.f32.msk $0xffff, v14;
	v15 =	vmul.f32 v16, v9  }
0x17e: {  	v16 =	vld.idx.msk [tilespmem:v2+s2+$0x0], $0xffff  }
0x17f: {  	[tilespmem:v6+s0+$0x0] =	vst.idx.add.f32.msk $0xffff, v15;
	v14 =	vmul.f32 v13, v10  }
0x180: {  	v13 =	vld.idx.msk [tilespmem:v1+s2+$0x0], $0xffff  }
0x181: {  	[tilespmem:v11+s24+$0x0] =	vst.idx.add.f32.msk $0xffff, v14  }
0x182: {  	v12 =	vld.idx.msk [tilespmem:v12+s26+$0x0], $0xffff  }
0x183: {  	v14 =	vld.idx.msk [tilespmem:v3+s2+$0x0], $0xffff  }
0x184: {  	s14 =	simm.s32 $0x0;
	s15 =	simm.s32 $0x18060;
	v15 =	vmul.f32 v16, v8  }
.LBB2_33:
0x185: {  	v16 =	vld [tilespmem:s15+$0x10];
	s14 =	sadd.s32 $0x40, s14;
	v13 =	vmul.f32 v13, v7  }
0x186: {  	v17 =	vld [tilespmem:s15+$0xFFFFFFF0];
	p0 =	slt.u32 s14, $0xFC0  }
0x187: {  	v10 =	vmul.f32 v12, v10;
	v18 =	vld [tilespmem:s15+$0x0]  }
0x188: {  	v14 =	vmul.f32 v14, v9;
	v12 =	vld [tilespmem:s15+$0xFFFFFFE0]  }
0x189: {  	[tilespmem:v11+s5+$0x0] =	vst.idx.add.f32.msk $0xffff, v10  }
0x18a: {  	v19 =	vand.u32 $0x3FFF, v16;
	[tilespmem:v4+s24+$0x0] =	vst.idx.add.f32.msk $0xffff, v15  }
0x18b: {  	v15 =	vshra.s32 v17, $0xE;
	v11 =	vand.u32 $0x3FFF, v17;
	[tilespmem:v5+s24+$0x0] =	vst.idx.add.f32.msk $0xffff, v13  }
0x18c: {  	v17 =	vshra.s32 v18, $0xE;
	v13 =	vand.u32 $0x3FFF, v18;
	[tilespmem:v6+s24+$0x0] =	vst.idx.add.f32.msk $0xffff, v14  }
0x18d: {  	v14 =	vshra.s32 v12, $0xE;
	v18 =	vld.idx.msk [tilespmem:v2+s26+$0x0], $0xffff;
	v2 =	vand.u32 $0x3FFF, v12  }
0x18e: {  	v12 =	vld.idx.msk [tilespmem:v1+s26+$0x0], $0xffff;
	v1 =	vmov v11  }
0x18f: {  	s13 =	sadd.s32 $0x40, s13;
	v20 =	vld.idx.msk [tilespmem:v19+s1+$0x0], $0xffff  }
0x190: {  	v10 =	vld [tilespmem:s13+$0x10]  }
0x191: {  	v21 =	vld.idx.msk [tilespmem:v11+s1+$0x0], $0xffff  }
0x192: {  	v11 =	vshra.s32 v16, $0xE;
	v22 =	vld.idx.msk [tilespmem:v2+s1+$0x0], $0xffff  }
0x193: {  	v18 =	vmul.f32 v18, v8;
	v16 =	vld.idx.msk [tilespmem:v13+s1+$0x0], $0xffff  }
0x194: {  	v23 =	vmul.f32 v12, v7;
	v8 =	vld [tilespmem:s13+$0xFFFFFFE0]  }
0x195: {  	v7 =	vld [tilespmem:s13+$0xFFFFFFF0];
	v12 =	vmul.f32 v20, v10  }
0x196: {  	v20 =	vld [tilespmem:s13+$0x0]  }
0x197: {  	[tilespmem:v11+s0+$0x0] =	vst.idx.add.f32.msk $0xffff, v12  }
0x198: {  	v12 =	vld.idx.msk [tilespmem:v19+s2+$0x0], $0xffff  }
0x199: {  	v22 =	vmul.f32 v22, v8;
	v24 =	vld.idx.msk [tilespmem:v3+s26+$0x0], $0xffff;
	v3 =	vmov v13  }
0x19a: {  	v13 =	vmul.f32 v21, v7;
	[tilespmem:v4+s5+$0x0] =	vst.idx.add.f32.msk $0xffff, v18;
	v4 =	vmov v14  }
0x19b: {  	[tilespmem:v14+s0+$0x0] =	vst.idx.add.f32.msk $0xffff, v22;
	v14 =	vmul.f32 v16, v20  }
0x19c: {  	[tilespmem:v15+s0+$0x0] =	vst.idx.add.f32.msk $0xffff, v13  }
0x19d: {  	[tilespmem:v17+s0+$0x0] =	vst.idx.add.f32.msk $0xffff, v14  }
0x19e: {  	v12 =	vmul.f32 v12, v10;
	v16 =	vld.idx.msk [tilespmem:v2+s2+$0x0], $0xffff  }
0x19f: {  	v18 =	vmul.f32 v24, v9;
	v9 =	vmov v20;
	v13 =	vld.idx.msk [tilespmem:v1+s2+$0x0], $0xffff  }
.Ltmp15:
0x1a0: {  	[tilespmem:v11+s24+$0x0] =	vst.idx.add.f32.msk $0xffff, v12;
	(pc) =	sbr.rel @p0 .LBB2_33-.Ltmp15, $4  }
0x1a1: {  	v12 =	vld.idx.msk [tilespmem:v19+s26+$0x0], $0xffff  }
0x1a2: {  	v14 =	vld.idx.msk [tilespmem:v3+s2+$0x0], $0xffff  }
0x1a3: {  	[tilespmem:v5+s5+$0x0] =	vst.idx.add.f32.msk $0xffff, v23;
	v5 =	vmov v15  }
0x1a4: {  	s15 =	sadd.s32 $0x40, s15;
	v15 =	vmul.f32 v16, v8;
	[tilespmem:v6+s5+$0x0] =	vst.idx.add.f32.msk $0xffff, v18;
	v6 =	vmov v17  }
0x1a5: {  	_ =	sdelay $0x2  }
0x1a6: {  	v13 =	vmul.f32 v13, v7  }
0x1a7: {  	[tilespmem:v4+s24+$0x0] =	vst.idx.add.f32.msk $0xffff, v15  }
0x1a8: {  	[tilespmem:v5+s24+$0x0] =	vst.idx.add.f32.msk $0xffff, v13  }
0x1a9: {  	v14 =	vmul.f32 v14, v9;
	v2 =	vld.idx.msk [tilespmem:v2+s26+$0x0], $0xffff  }
0x1aa: {  	v1 =	vld.idx.msk [tilespmem:v1+s26+$0x0], $0xffff  }
0x1ab: {  	[tilespmem:v6+s24+$0x0] =	vst.idx.add.f32.msk $0xffff, v14  }
0x1ac: {  	v3 =	vld.idx.msk [tilespmem:v3+s26+$0x0], $0xffff;
	_ =	sdelay $0x1  }
0x1ad: {  	v10 =	vmul.f32 v12, v10  }
0x1ae: {  	v2 =	vmul.f32 v2, v8  }
0x1af: {  	[tilespmem:v11+s5+$0x0] =	vst.idx.add.f32.msk $0xffff, v10;
	v1 =	vmul.f32 v1, v7  }
0x1b0: {  	p0 =	seq.s32 s11, $0x20;
	[tilespmem:v4+s5+$0x0] =	vst.idx.add.f32.msk $0xffff, v2;
	v2 =	vmul.f32 v3, v9  }
0x1b1: {  	s12 =	sadd.s32 @!p0 $0x400, s12;
	[tilespmem:v5+s5+$0x0] =	vst.idx.add.f32.msk $0xffff, v1  }
0x1b2: {  	s14 =	simm.s32 @!p0 $0x0;
	s15 =	simm.s32 @!p0 $0x18000;
	s13 =	sadd.s32 @!p0 s3, s12;
	[tilespmem:v6+s5+$0x0] =	vst.idx.add.f32.msk $0xffff, v2  }
0x1b3: {  	[tilespmem:s15], [sflag:$0x1] =	stream.linear.gather @!p0 [hbm4b:s13+s14], $0x1000, $0x38;
	[tilespmem:$0x1CD00] =	vst v63  }
0x1b4: {  	s12 =	sadd.s32 @!p0 s4, s12;
	s13 =	simm.s32 @!p0 $0x19000  }
0x1b5: {  	[tilespmem:s13], [sflag:$0x1] =	stream.linear.gather @!p0 [hbm4b:s12+s14], $0x1000, $0x38;
	[tilespmem:$0x1CD00] =	vst v63  }
0x1b6: {  	_ =	swait.ge [sflag:s9], $0x1000  }
0x1b7: {  	[sflag:s9] =	ssyncset.done $0x0  }
0x1b8: {  	[sflag:s9] =	ssyncadd.s32 $0xFFFFF000  }
0x1b9: {  	_ =	swait.ge [sflag:s9], $0x1000  }
0x1ba: {  	[sflag:s9] =	ssyncset.done $0x0  }
0x1bb: {  	s15 =	simm.s32 $0x1A020;
	[sflag:s9] =	ssyncadd.s32 $0xFFFFF000  }
0x1bc: {  	v4 =	vld [tilespmem:s15+$0x10];
	_ =	sdelay $0x2  }
0x1bd: {  	v6 =	vld [tilespmem:s15+$0xFFFFFFE0]  }
0x1be: {  	v5 =	vld [tilespmem:s15+$0xFFFFFFF0]  }
0x1bf: {  	v13 =	vld [tilespmem:s15+$0x0];
	v12 =	vand.u32 $0x3FFF, v4;
	_ =	sdelay $0x2  }
0x1c0: {  	s12 =	simm.s32 $0x1B020;
	v2 =	vand.u32 $0x3FFF, v6  }
0x1c1: {  	v10 =	vld [tilespmem:s12+$0x10];
	v1 =	vand.u32 $0x3FFF, v5  }
0x1c2: {  	v3 =	vand.u32 $0x3FFF, v13;
	v9 =	vld.idx.msk [tilespmem:v12+s1+$0x0], $0xffff  }
0x1c3: {  	v8 =	vld [tilespmem:s12+$0xFFFFFFE0]  }
0x1c4: {  	v7 =	vld [tilespmem:s12+$0xFFFFFFF0];
	v11 =	vshra.s32 v4, $0xE  }
0x1c5: {  	v15 =	vld.idx.msk [tilespmem:v2+s1+$0x0], $0xffff  }
0x1c6: {  	v14 =	vld.idx.msk [tilespmem:v1+s1+$0x0], $0xffff  }
0x1c7: {  	v4 =	vshra.s32 v6, $0xE;
	v16 =	vld.idx.msk [tilespmem:v3+s1+$0x0], $0xffff;
	v6 =	vmul.f32 v9, v10  }
0x1c8: {  	v5 =	vshra.s32 v5, $0xE;
	v9 =	vld [tilespmem:s12+$0x0]  }
0x1c9: {  	[tilespmem:v11+s0+$0x0] =	vst.idx.add.f32.msk $0xffff, v6  }
0x1ca: {  	v15 =	vmul.f32 v15, v8;
	v6 =	vshra.s32 v13, $0xE;
	v13 =	vld.idx.msk [tilespmem:v12+s2+$0x0], $0xffff  }
0x1cb: {  	v14 =	vmul.f32 v14, v7  }
0x1cc: {  	[tilespmem:v4+s0+$0x0] =	vst.idx.add.f32.msk $0xffff, v15  }
0x1cd: {  	[tilespmem:v5+s0+$0x0] =	vst.idx.add.f32.msk $0xffff, v14;
	v15 =	vmul.f32 v16, v9  }
0x1ce: {  	v16 =	vld.idx.msk [tilespmem:v2+s2+$0x0], $0xffff  }
0x1cf: {  	[tilespmem:v6+s0+$0x0] =	vst.idx.add.f32.msk $0xffff, v15;
	v14 =	vmul.f32 v13, v10  }
0x1d0: {  	v13 =	vld.idx.msk [tilespmem:v1+s2+$0x0], $0xffff  }
0x1d1: {  	[tilespmem:v11+s24+$0x0] =	vst.idx.add.f32.msk $0xffff, v14  }
0x1d2: {  	v12 =	vld.idx.msk [tilespmem:v12+s26+$0x0], $0xffff  }
0x1d3: {  	v14 =	vld.idx.msk [tilespmem:v3+s2+$0x0], $0xffff  }
0x1d4: {  	s13 =	simm.s32 $0x0;
	s14 =	simm.s32 $0x1A060;
	v15 =	vmul.f32 v16, v8  }
.LBB2_35:
0x1d5: {  	v16 =	vld [tilespmem:s14+$0x10];
	s13 =	sadd.s32 $0x40, s13;
	v13 =	vmul.f32 v13, v7  }
0x1d6: {  	v17 =	vld [tilespmem:s14+$0xFFFFFFF0];
	p0 =	slt.u32 s13, $0xFC0  }
0x1d7: {  	v10 =	vmul.f32 v12, v10;
	v18 =	vld [tilespmem:s14+$0x0]  }
0x1d8: {  	v14 =	vmul.f32 v14, v9;
	v12 =	vld [tilespmem:s14+$0xFFFFFFE0]  }
0x1d9: {  	[tilespmem:v11+s5+$0x0] =	vst.idx.add.f32.msk $0xffff, v10  }
0x1da: {  	v19 =	vand.u32 $0x3FFF, v16;
	[tilespmem:v4+s24+$0x0] =	vst.idx.add.f32.msk $0xffff, v15  }
0x1db: {  	v15 =	vshra.s32 v17, $0xE;
	v11 =	vand.u32 $0x3FFF, v17;
	[tilespmem:v5+s24+$0x0] =	vst.idx.add.f32.msk $0xffff, v13  }
0x1dc: {  	v17 =	vshra.s32 v18, $0xE;
	v13 =	vand.u32 $0x3FFF, v18;
	[tilespmem:v6+s24+$0x0] =	vst.idx.add.f32.msk $0xffff, v14  }
0x1dd: {  	v14 =	vshra.s32 v12, $0xE;
	v18 =	vld.idx.msk [tilespmem:v2+s26+$0x0], $0xffff;
	v2 =	vand.u32 $0x3FFF, v12  }
0x1de: {  	v12 =	vld.idx.msk [tilespmem:v1+s26+$0x0], $0xffff;
	v1 =	vmov v11  }
0x1df: {  	s12 =	sadd.s32 $0x40, s12;
	v20 =	vld.idx.msk [tilespmem:v19+s1+$0x0], $0xffff  }
0x1e0: {  	v10 =	vld [tilespmem:s12+$0x10]  }
0x1e1: {  	v21 =	vld.idx.msk [tilespmem:v11+s1+$0x0], $0xffff  }
0x1e2: {  	v11 =	vshra.s32 v16, $0xE;
	v22 =	vld.idx.msk [tilespmem:v2+s1+$0x0], $0xffff  }
0x1e3: {  	v18 =	vmul.f32 v18, v8;
	v16 =	vld.idx.msk [tilespmem:v13+s1+$0x0], $0xffff  }
0x1e4: {  	v23 =	vmul.f32 v12, v7;
	v8 =	vld [tilespmem:s12+$0xFFFFFFE0]  }
0x1e5: {  	v7 =	vld [tilespmem:s12+$0xFFFFFFF0];
	v12 =	vmul.f32 v20, v10  }
0x1e6: {  	v20 =	vld [tilespmem:s12+$0x0]  }
0x1e7: {  	[tilespmem:v11+s0+$0x0] =	vst.idx.add.f32.msk $0xffff, v12  }
0x1e8: {  	v12 =	vld.idx.msk [tilespmem:v19+s2+$0x0], $0xffff  }
0x1e9: {  	v22 =	vmul.f32 v22, v8;
	v24 =	vld.idx.msk [tilespmem:v3+s26+$0x0], $0xffff;
	v3 =	vmov v13  }
0x1ea: {  	v13 =	vmul.f32 v21, v7;
	[tilespmem:v4+s5+$0x0] =	vst.idx.add.f32.msk $0xffff, v18;
	v4 =	vmov v14  }
0x1eb: {  	[tilespmem:v14+s0+$0x0] =	vst.idx.add.f32.msk $0xffff, v22;
	v14 =	vmul.f32 v16, v20  }
0x1ec: {  	[tilespmem:v15+s0+$0x0] =	vst.idx.add.f32.msk $0xffff, v13  }
0x1ed: {  	[tilespmem:v17+s0+$0x0] =	vst.idx.add.f32.msk $0xffff, v14  }
0x1ee: {  	v12 =	vmul.f32 v12, v10;
	v16 =	vld.idx.msk [tilespmem:v2+s2+$0x0], $0xffff  }
0x1ef: {  	v18 =	vmul.f32 v24, v9;
	v9 =	vmov v20;
	v13 =	vld.idx.msk [tilespmem:v1+s2+$0x0], $0xffff  }
.Ltmp16:
0x1f0: {  	[tilespmem:v11+s24+$0x0] =	vst.idx.add.f32.msk $0xffff, v12;
	(pc) =	sbr.rel @p0 .LBB2_35-.Ltmp16, $4  }
0x1f1: {  	v12 =	vld.idx.msk [tilespmem:v19+s26+$0x0], $0xffff  }
0x1f2: {  	v14 =	vld.idx.msk [tilespmem:v3+s2+$0x0], $0xffff  }
0x1f3: {  	[tilespmem:v5+s5+$0x0] =	vst.idx.add.f32.msk $0xffff, v23;
	v5 =	vmov v15  }
0x1f4: {  	s14 =	sadd.s32 $0x40, s14;
	v15 =	vmul.f32 v16, v8;
	[tilespmem:v6+s5+$0x0] =	vst.idx.add.f32.msk $0xffff, v18;
	v6 =	vmov v17  }
0x1f5: {  	_ =	sdelay $0x2  }
0x1f6: {  	v13 =	vmul.f32 v13, v7  }
0x1f7: {  	[tilespmem:v4+s24+$0x0] =	vst.idx.add.f32.msk $0xffff, v15  }
0x1f8: {  	[tilespmem:v5+s24+$0x0] =	vst.idx.add.f32.msk $0xffff, v13  }
0x1f9: {  	v14 =	vmul.f32 v14, v9;
	v2 =	vld.idx.msk [tilespmem:v2+s26+$0x0], $0xffff  }
0x1fa: {  	v1 =	vld.idx.msk [tilespmem:v1+s26+$0x0], $0xffff  }
0x1fb: {  	[tilespmem:v6+s24+$0x0] =	vst.idx.add.f32.msk $0xffff, v14  }
0x1fc: {  	v3 =	vld.idx.msk [tilespmem:v3+s26+$0x0], $0xffff  }
0x1fd: {  	s11 =	sadd.s32 $0x1, s11  }
0x1fe: {  	v10 =	vmul.f32 v12, v10;
	p0 =	sne.s32 s11, $0x21  }
.Ltmp17:
0x1ff: {  	v2 =	vmul.f32 v2, v8;
	(pc) =	sbr.rel @p0 .LBB2_32-.Ltmp17, $4  }
0x200: {  	[tilespmem:v11+s5+$0x0] =	vst.idx.add.f32.msk $0xffff, v10;
	v1 =	vmul.f32 v1, v7  }
0x201: {  	[tilespmem:v4+s5+$0x0] =	vst.idx.add.f32.msk $0xffff, v2;
	v2 =	vmul.f32 v3, v9  }
0x202: {  	[tilespmem:v5+s5+$0x0] =	vst.idx.add.f32.msk $0xffff, v1  }
0x203: {  	[tilespmem:v6+s5+$0x0] =	vst.idx.add.f32.msk $0xffff, v2  }
0x204: {  	[hbm4b:s16+s30] =	stream.strided.scatter [tilespmem:s0], [sflag:$0x3], $0x4000, s31, s30, $0x38;
	[tilespmem:$0x1CD00] =	vst v63  }
0x205: {  	_ =	swait.ge [sflag:s25], $0x4000  }
0x206: {  	[sflag:s25] =	ssyncset.done $0x0  }
0x207: {  	[sflag:s25] =	ssyncadd.s32 $0xFFFFC000  }
0x208: {  	[hbm4b:s17+s30] =	stream.strided.scatter [tilespmem:s24], [sflag:$0x3], $0x4000, s31, s30, $0x38;
	[tilespmem:$0x1CD00] =	vst v63  }
0x209: {  	_ =	swait.ge [sflag:s25], $0x4000  }
0x20a: {  	[sflag:s25] =	ssyncset.done $0x0  }
0x20b: {  	[sflag:s25] =	ssyncadd.s32 $0xFFFFC000  }
0x20c: {  	[hbm4b:s18+s30] =	stream.strided.scatter [tilespmem:s5], [sflag:$0x3], $0x4000, s31, s30, $0x38;
	[tilespmem:$0x1CD00] =	vst v63  }
0x20d: {  	_ =	swait.ge [sflag:s25], $0x4000  }
0x20e: {  	[sflag:s25] =	ssyncset.done $0x0  }
0x20f: {  	[sflag:s25] =	ssyncadd.s32 $0xFFFFC000  }
0x210: {  	[tilespmem:s28], [sflag:$0x1] =	stream.linear.gather [hbm4b:s3+s1], $0x1000, $0x38;
	[tilespmem:$0x1CD00] =	vst v63  }
0x211: {  	_ = 	snop  }
0x212: {  	[tilespmem:s29], [sflag:$0x1] =	stream.linear.gather [hbm4b:s4+s1], $0x1000, $0x38;
	[tilespmem:$0x1CD00] =	vst v63  }
0x213: {  	_ = 	snop  }
0x214: {  	[tilespmem:s1], [sflag:$0x3] =	stream.strided.gather [hbm4b:s19+s30], $0x4000, s31, s30, $0x38;
	[tilespmem:$0x1CD00] =	vst v63  }
0x215: {  	_ =	swait.ge [sflag:s25], $0x4000  }
0x216: {  	[sflag:s25] =	ssyncset.done $0x0  }
0x217: {  	s11 =	simm.s32 $0xC020;
	[sflag:s25] =	ssyncadd.s32 $0xFFFFC000  }
0x218: {  	[tilespmem:s11+$0xFFFFFFE0] =	vst v0  }
0x219: {  	[tilespmem:s11+$0x10] =	vst v0  }
0x21a: {  	s12 =	simm.s32 $0x0;
	[tilespmem:s11+$0x0] =	vst v0  }
.LBB2_38:
0x21b: {  	s12 =	sadd.s32 $0x40, s12  }
0x21c: {  	[tilespmem:s11+$0xFFFFFFF0] =	vst v0;
	s11 =	sadd.s32 $0x40, s11;
	p0 =	slt.u32 s12, $0x3FC0  }
.Ltmp18:
0x21d: {  	[tilespmem:s11+$0xFFFFFFE0] =	vst v0;
	(pc) =	sbr.rel @p0 .LBB2_38-.Ltmp18, $3  }
0x21e: {  	_ =	sdelay $0x1  }
0x21f: {  	[tilespmem:s11+$0x10] =	vst v0  }
0x220: {  	[tilespmem:s11+$0x0] =	vst v0  }
0x221: {  	[tilespmem:s11+$0xFFFFFFF0] =	vst v0;
	s12 =	simm.s32 $0x0;
	s11 =	simm.s32 $0x40  }
.LBB2_40:
0x222: {  	p0 =	sne.s32 s11, $0x1980;
	v1 =	vld [tilespmem:s12+$0x1C000];
	_ =	sdelay $0x2  }
0x223: {  	v2 =	vld [tilespmem:s12+$0x1C680]  }
.Ltmp19:
0x224: {  	(pc) =	sbr.rel @p0 .LBB2_40-.Ltmp19, $2  }
0x225: {  	_ =	sdelay $0x2  }
0x226: {  	s12 =	sshra.s32 s11, $0x2;
	s11 =	sadd.s32 $0x40, s11;
	[tilespmem:v1+s0+$0x0] =	vst.idx.add.f32.msk $0xffff, v2  }
0x227: {  	v1 =	vld [tilespmem:s12+$0x1C000];
	_ =	sdelay $0x2  }
0x228: {  	v2 =	vld [tilespmem:s12+$0x1C680];
	_ =	sdelay $0x4  }
0x229: {  	[tilespmem:v1+s0+$0x0] =	vst.idx.add.f32.msk $0xffff, v2  }
0x22a: {  	[tilespmem:s2], [sflag:$0x3] =	stream.strided.gather [hbm4b:s20+s30], $0x4000, s31, s30, $0x38;
	[tilespmem:$0x1CD00] =	vst v63  }
0x22b: {  	_ =	swait.ge [sflag:s25], $0x4000  }
0x22c: {  	[sflag:s25] =	ssyncset.done $0x0  }
0x22d: {  	s11 =	simm.s32 $0x10020;
	[sflag:s25] =	ssyncadd.s32 $0xFFFFC000  }
0x22e: {  	[tilespmem:s11+$0xFFFFFFE0] =	vst v0  }
0x22f: {  	[tilespmem:s11+$0x10] =	vst v0  }
0x230: {  	s12 =	simm.s32 $0x0;
	[tilespmem:s11+$0x0] =	vst v0  }
.LBB2_42:
0x231: {  	s12 =	sadd.s32 $0x40, s12  }
0x232: {  	[tilespmem:s11+$0xFFFFFFF0] =	vst v0;
	s11 =	sadd.s32 $0x40, s11;
	p0 =	slt.u32 s12, $0x3FC0  }
.Ltmp20:
0x233: {  	[tilespmem:s11+$0xFFFFFFE0] =	vst v0;
	(pc) =	sbr.rel @p0 .LBB2_42-.Ltmp20, $3  }
0x234: {  	_ =	sdelay $0x1  }
0x235: {  	[tilespmem:s11+$0x10] =	vst v0  }
0x236: {  	[tilespmem:s11+$0x0] =	vst v0  }
0x237: {  	[tilespmem:s11+$0xFFFFFFF0] =	vst v0;
	s11 =	simm.s32 $0x0;
	s13 =	simm.s32 $0x0;
	s12 =	simm.s32 $0x40  }
.LBB2_44:
0x238: {  	p0 =	sne.s32 s12, $0x1980;
	v1 =	vld [tilespmem:s13+$0x1C000];
	_ =	sdelay $0x2  }
0x239: {  	v2 =	vld [tilespmem:s13+$0x1C680]  }
.Ltmp21:
0x23a: {  	(pc) =	sbr.rel @p0 .LBB2_44-.Ltmp21, $2  }
0x23b: {  	_ =	sdelay $0x2  }
0x23c: {  	s13 =	sshra.s32 s12, $0x2;
	s12 =	sadd.s32 $0x40, s12;
	[tilespmem:v1+s24+$0x0] =	vst.idx.add.f32.msk $0xffff, v2  }
0x23d: {  	v1 =	vld [tilespmem:s13+$0x1C000];
	_ =	sdelay $0x2  }
0x23e: {  	v2 =	vld [tilespmem:s13+$0x1C680];
	_ =	sdelay $0x4  }
0x23f: {  	[tilespmem:v1+s24+$0x0] =	vst.idx.add.f32.msk $0xffff, v2  }
.LBB2_46:
0x240: {  	s12 =	sshll.u32 s11, $0xA  }
0x241: {  	s13 =	sor.u32 $0x200, s12  }
0x242: {  	s14 =	sadd.s32 s3, s13  }
0x243: {  	[tilespmem:s6], [sflag:$0x2] =	stream.linear.gather [hbm4b:s14+s1], $0x1000, $0x38;
	[tilespmem:$0x1CD00] =	vst v63  }
0x244: {  	s13 =	sadd.s32 s4, s13  }
0x245: {  	[tilespmem:s7], [sflag:$0x2] =	stream.linear.gather [hbm4b:s13+s1], $0x1000, $0x38;
	[tilespmem:$0x1CD00] =	vst v63  }
0x246: {  	_ =	swait.ge [sflag:s8], $0x1000  }
0x247: {  	[sflag:s8] =	ssyncset.done $0x0  }
0x248: {  	[sflag:s8] =	ssyncadd.s32 $0xFFFFF000  }
0x249: {  	_ =	swait.ge [sflag:s8], $0x1000  }
0x24a: {  	[sflag:s8] =	ssyncset.done $0x0  }
0x24b: {  	s15 =	simm.s32 $0x18020;
	[sflag:s8] =	ssyncadd.s32 $0xFFFFF000  }
0x24c: {  	v1 =	vld [tilespmem:s15+$0x10]  }
0x24d: {  	v3 =	vld [tilespmem:s15+$0xFFFFFFE0];
	_ =	sdelay $0x3  }
0x24e: {  	v2 =	vld [tilespmem:s15+$0xFFFFFFF0];
	v4 =	vand.u32 $0x3FFF, v1  }
0x24f: {  	v5 =	vld [tilespmem:s15+$0x0];
	v6 =	vand.u32 $0x3FFF, v3  }
0x250: {  	s14 =	simm.s32 $0x19020  }
0x251: {  	v9 =	vld [tilespmem:s14+$0x10]  }
0x252: {  	v13 =	vld [tilespmem:s14+$0xFFFFFFE0]  }
0x253: {  	v7 =	vand.u32 $0x3FFF, v2;
	v8 =	vld.idx.msk [tilespmem:v4+s1+$0x0], $0xffff  }
0x254: {  	v10 =	vand.u32 $0x3FFF, v5;
	v12 =	vshra.s32 v1, $0xE;
	v1 =	vld.idx.msk [tilespmem:v6+s1+$0x0], $0xffff  }
0x255: {  	v14 =	vld [tilespmem:s14+$0xFFFFFFF0]  }
0x256: {  	s15 =	simm.s32 $0x18060;
	v17 =	vld [tilespmem:s14+$0x0];
	v15 =	vshra.s32 v3, $0xE  }
0x257: {  	v19 =	vld [tilespmem:s15+$0x0]  }
0x258: {  	v11 =	vld.idx.msk [tilespmem:v7+s1+$0x0], $0xffff;
	v8 =	vmul.f32 v8, v9  }
0x259: {  	v3 =	vld.idx.msk [tilespmem:v10+s1+$0x0], $0xffff;
	v1 =	vmul.f32 v1, v13  }
0x25a: {  	[tilespmem:v12+s0+$0x0] =	vst.idx.add.f32.msk $0xffff, v8  }
0x25b: {  	[tilespmem:v15+s0+$0x0] =	vst.idx.add.f32.msk $0xffff, v1  }
0x25c: {  	v16 =	vshra.s32 v2, $0xE;
	v2 =	vld.idx.msk [tilespmem:v4+s2+$0x0], $0xffff  }
0x25d: {  	v4 =	vld [tilespmem:s15+$0x10]  }
0x25e: {  	s13 =	simm.s32 $0x19060;
	v1 =	vshra.s32 v5, $0xE;
	v5 =	vld [tilespmem:s15+$0xFFFFFFF0]  }
0x25f: {  	v8 =	vmul.f32 v11, v14;
	v11 =	vld [tilespmem:s13+$0x10]  }
0x260: {  	v20 =	vld.idx.msk [tilespmem:v6+s2+$0x0], $0xffff  }
0x261: {  	[tilespmem:v16+s0+$0x0] =	vst.idx.add.f32.msk $0xffff, v8  }
0x262: {  	v2 =	vmul.f32 v2, v9;
	v9 =	vld [tilespmem:s15+$0xFFFFFFE0];
	v18 =	vand.u32 $0x3FFF, v4  }
0x263: {  	v8 =	vld [tilespmem:s13+$0xFFFFFFE0]  }
0x264: {  	v22 =	vld.idx.msk [tilespmem:v7+s2+$0x0], $0xffff  }
0x265: {  	v7 =	vld [tilespmem:s13+$0xFFFFFFF0]  }
0x266: {  	v3 =	vmul.f32 v3, v17;
	[tilespmem:v12+s24+$0x0] =	vst.idx.add.f32.msk $0xffff, v2;
	v2 =	vand.u32 $0x3FFF, v5  }
0x267: {  	v6 =	vand.u32 $0x3FFF, v9;
	v21 =	vld.idx.msk [tilespmem:v18+s1+$0x0], $0xffff  }
0x268: {  	[tilespmem:v1+s0+$0x0] =	vst.idx.add.f32.msk $0xffff, v3;
	v3 =	vand.u32 $0x3FFF, v19  }
0x269: {  	v23 =	vld.idx.msk [tilespmem:v10+s2+$0x0], $0xffff;
	v12 =	vshra.s32 v4, $0xE  }
0x26a: {  	v10 =	vld [tilespmem:s13+$0x0]  }
0x26b: {  	v24 =	vld.idx.msk [tilespmem:v2+s1+$0x0], $0xffff  }
0x26c: {  	v25 =	vld.idx.msk [tilespmem:v6+s1+$0x0], $0xffff;
	v4 =	vmul.f32 v21, v11  }
0x26d: {  	v5 =	vshra.s32 v5, $0xE;
	v61 =	vld.idx.msk [tilespmem:v3+s1+$0x0], $0xffff  }
0x26e: {  	[tilespmem:v12+s0+$0x0] =	vst.idx.add.f32.msk $0xffff, v4;
	v4 =	vshra.s32 v9, $0xE;
	v9 =	vmul.f32 v20, v13  }
0x26f: {  	v13 =	vmul.f32 v22, v14;
	v14 =	vld.idx.msk [tilespmem:v18+s2+$0x0], $0xffff  }
0x270: {  	v63 =	vmul.f32 v24, v7;
	[tilespmem:v15+s24+$0x0] =	vst.idx.add.f32.msk $0xffff, v9  }
0x271: {  	[tilespmem:v16+s24+$0x0] =	vst.idx.add.f32.msk $0xffff, v13;
	v62 =	vmul.f32 v25, v8  }
0x272: {  	[tilespmem:v5+s0+$0x0] =	vst.idx.add.f32.msk $0xffff, v63  }
0x273: {  	s14 =	simm.s32 $0x40;
	s15 =	simm.s32 $0x180A0;
	v9 =	vshra.s32 v19, $0xE;
	v13 =	vmul.f32 v23, v17;
	v15 =	vmul.f32 v61, v10;
	[tilespmem:v4+s0+$0x0] =	vst.idx.add.f32.msk $0xffff, v62  }
.LBB2_47:
0x274: {  	v16 =	vld [tilespmem:s15+$0x10];
	s14 =	sadd.s32 $0x40, s14  }
0x275: {  	v11 =	vmul.f32 v14, v11;
	v17 =	vld [tilespmem:s15+$0xFFFFFFF0];
	p0 =	slt.u32 s14, $0xFC0  }
0x276: {  	v14 =	vld [tilespmem:s15+$0x0]  }
0x277: {  	[tilespmem:v12+s24+$0x0] =	vst.idx.add.f32.msk $0xffff, v11  }
0x278: {  	v11 =	vld [tilespmem:s15+$0xFFFFFFE0]  }
0x279: {  	v18 =	vand.u32 $0x3FFF, v16;
	[tilespmem:v9+s0+$0x0] =	vst.idx.add.f32.msk $0xffff, v15  }
0x27a: {  	v19 =	vshra.s32 v17, $0xE;
	v12 =	vand.u32 $0x3FFF, v17;
	v15 =	vld.idx.msk [tilespmem:v6+s2+$0x0], $0xffff  }
0x27b: {  	v17 =	vshra.s32 v14, $0xE;
	v6 =	vand.u32 $0x3FFF, v14;
	v14 =	vld.idx.msk [tilespmem:v2+s2+$0x0], $0xffff;
	v2 =	vmov v12  }
0x27c: {  	v20 =	vld.idx.msk [tilespmem:v3+s2+$0x0], $0xffff;
	v3 =	vmov v6  }
0x27d: {  	v21 =	vshra.s32 v11, $0xE;
	v6 =	vand.u32 $0x3FFF, v11;
	[tilespmem:v1+s24+$0x0] =	vst.idx.add.f32.msk $0xffff, v13;
	v1 =	vmovc v9;
	v9 =	vmov v17  }
0x27e: {  	s13 =	sadd.s32 $0x40, s13;
	v17 =	vld.idx.msk [tilespmem:v18+s1+$0x0], $0xffff  }
0x27f: {  	v11 =	vld [tilespmem:s13+$0x10]  }
0x280: {  	v15 =	vmul.f32 v15, v8;
	v22 =	vld.idx.msk [tilespmem:v12+s1+$0x0], $0xffff  }
0x281: {  	v12 =	vshra.s32 v16, $0xE;
	v16 =	vmul.f32 v14, v7;
	v23 =	vld.idx.msk [tilespmem:v3+s1+$0x0], $0xffff  }
0x282: {  	v13 =	vmul.f32 v20, v10;
	v24 =	vld.idx.msk [tilespmem:v6+s1+$0x0], $0xffff  }
0x283: {  	v8 =	vld [tilespmem:s13+$0xFFFFFFE0]  }
0x284: {  	v7 =	vld [tilespmem:s13+$0xFFFFFFF0];
	v14 =	vmul.f32 v17, v11  }
0x285: {  	v10 =	vld [tilespmem:s13+$0x0]  }
0x286: {  	[tilespmem:v12+s0+$0x0] =	vst.idx.add.f32.msk $0xffff, v14  }
.Ltmp22:
0x287: {  	v14 =	vld.idx.msk [tilespmem:v18+s2+$0x0], $0xffff;
	(pc) =	sbr.rel @p0 .LBB2_47-.Ltmp22, $4  }
0x288: {  	v17 =	vmul.f32 v24, v8;
	[tilespmem:v4+s24+$0x0] =	vst.idx.add.f32.msk $0xffff, v15;
	v4 =	vmov v21  }
0x289: {  	v18 =	vmul.f32 v22, v7;
	[tilespmem:v5+s24+$0x0] =	vst.idx.add.f32.msk $0xffff, v16;
	v5 =	vmov v19  }
0x28a: {  	[tilespmem:v21+s0+$0x0] =	vst.idx.add.f32.msk $0xffff, v17;
	v15 =	vmul.f32 v23, v10  }
0x28b: {  	s15 =	sadd.s32 $0x40, s15;
	[tilespmem:v19+s0+$0x0] =	vst.idx.add.f32.msk $0xffff, v18  }
0x28c: {  	_ =	sdelay $0x3  }
0x28d: {  	[tilespmem:v9+s0+$0x0] =	vst.idx.add.f32.msk $0xffff, v15  }
0x28e: {  	v6 =	vld.idx.msk [tilespmem:v6+s2+$0x0], $0xffff  }
0x28f: {  	v2 =	vld.idx.msk [tilespmem:v2+s2+$0x0], $0xffff  }
0x290: {  	v3 =	vld.idx.msk [tilespmem:v3+s2+$0x0], $0xffff;
	_ =	sdelay $0x1  }
0x291: {  	v11 =	vmul.f32 v14, v11  }
0x292: {  	[tilespmem:v1+s24+$0x0] =	vst.idx.add.f32.msk $0xffff, v13;
	v6 =	vmul.f32 v6, v8  }
0x293: {  	[tilespmem:v12+s24+$0x0] =	vst.idx.add.f32.msk $0xffff, v11;
	v1 =	vmul.f32 v2, v7  }
0x294: {  	p0 =	seq.s32 s11, $0x20;
	v2 =	vmul.f32 v3, v10;
	[tilespmem:v4+s24+$0x0] =	vst.idx.add.f32.msk $0xffff, v6  }
0x295: {  	s12 =	sadd.s32 @!p0 $0x400, s12;
	[tilespmem:v5+s24+$0x0] =	vst.idx.add.f32.msk $0xffff, v1  }
0x296: {  	s14 =	simm.s32 @!p0 $0x0;
	s15 =	simm.s32 @!p0 $0x18000;
	s13 =	sadd.s32 @!p0 s3, s12;
	[tilespmem:v9+s24+$0x0] =	vst.idx.add.f32.msk $0xffff, v2  }
0x297: {  	[tilespmem:s15], [sflag:$0x1] =	stream.linear.gather @!p0 [hbm4b:s13+s14], $0x1000, $0x38;
	[tilespmem:$0x1CD00] =	vst v63  }
0x298: {  	s12 =	sadd.s32 @!p0 s4, s12;
	s13 =	simm.s32 @!p0 $0x19000  }
0x299: {  	[tilespmem:s13], [sflag:$0x1] =	stream.linear.gather @!p0 [hbm4b:s12+s14], $0x1000, $0x38;
	[tilespmem:$0x1CD00] =	vst v63  }
0x29a: {  	_ =	swait.ge [sflag:s9], $0x1000  }
0x29b: {  	[sflag:s9] =	ssyncset.done $0x0  }
0x29c: {  	[sflag:s9] =	ssyncadd.s32 $0xFFFFF000  }
0x29d: {  	_ =	swait.ge [sflag:s9], $0x1000  }
0x29e: {  	[sflag:s9] =	ssyncset.done $0x0  }
0x29f: {  	s13 =	simm.s32 $0x1A020;
	[sflag:s9] =	ssyncadd.s32 $0xFFFFF000  }
0x2a0: {  	v1 =	vld [tilespmem:s13+$0x10]  }
0x2a1: {  	v3 =	vld [tilespmem:s13+$0xFFFFFFE0];
	_ =	sdelay $0x3  }
0x2a2: {  	v2 =	vld [tilespmem:s13+$0xFFFFFFF0];
	v4 =	vand.u32 $0x3FFF, v1  }
0x2a3: {  	v5 =	vld [tilespmem:s13+$0x0];
	v6 =	vand.u32 $0x3FFF, v3  }
0x2a4: {  	s14 =	simm.s32 $0x1B020  }
0x2a5: {  	v9 =	vld [tilespmem:s14+$0x10]  }
0x2a6: {  	v13 =	vld [tilespmem:s14+$0xFFFFFFE0]  }
0x2a7: {  	v7 =	vand.u32 $0x3FFF, v2;
	v8 =	vld.idx.msk [tilespmem:v4+s1+$0x0], $0xffff  }
0x2a8: {  	v10 =	vand.u32 $0x3FFF, v5;
	v12 =	vshra.s32 v1, $0xE;
	v1 =	vld.idx.msk [tilespmem:v6+s1+$0x0], $0xffff  }
0x2a9: {  	v14 =	vld [tilespmem:s14+$0xFFFFFFF0]  }
0x2aa: {  	s15 =	simm.s32 $0x1A060;
	v17 =	vld [tilespmem:s14+$0x0];
	v15 =	vshra.s32 v3, $0xE  }
0x2ab: {  	v19 =	vld [tilespmem:s15+$0x0]  }
0x2ac: {  	v11 =	vld.idx.msk [tilespmem:v7+s1+$0x0], $0xffff;
	v8 =	vmul.f32 v8, v9  }
0x2ad: {  	v3 =	vld.idx.msk [tilespmem:v10+s1+$0x0], $0xffff;
	v1 =	vmul.f32 v1, v13  }
0x2ae: {  	[tilespmem:v12+s0+$0x0] =	vst.idx.add.f32.msk $0xffff, v8  }
0x2af: {  	[tilespmem:v15+s0+$0x0] =	vst.idx.add.f32.msk $0xffff, v1  }
0x2b0: {  	v16 =	vshra.s32 v2, $0xE;
	v2 =	vld.idx.msk [tilespmem:v4+s2+$0x0], $0xffff  }
0x2b1: {  	v4 =	vld [tilespmem:s15+$0x10]  }
0x2b2: {  	s12 =	simm.s32 $0x1B060;
	v1 =	vshra.s32 v5, $0xE;
	v5 =	vld [tilespmem:s15+$0xFFFFFFF0]  }
0x2b3: {  	v8 =	vmul.f32 v11, v14;
	v11 =	vld [tilespmem:s12+$0x10]  }
0x2b4: {  	v20 =	vld.idx.msk [tilespmem:v6+s2+$0x0], $0xffff  }
0x2b5: {  	[tilespmem:v16+s0+$0x0] =	vst.idx.add.f32.msk $0xffff, v8  }
0x2b6: {  	v2 =	vmul.f32 v2, v9;
	v9 =	vld [tilespmem:s15+$0xFFFFFFE0];
	v18 =	vand.u32 $0x3FFF, v4  }
0x2b7: {  	v8 =	vld [tilespmem:s12+$0xFFFFFFE0]  }
0x2b8: {  	v22 =	vld.idx.msk [tilespmem:v7+s2+$0x0], $0xffff  }
0x2b9: {  	v7 =	vld [tilespmem:s12+$0xFFFFFFF0]  }
0x2ba: {  	v3 =	vmul.f32 v3, v17;
	[tilespmem:v12+s24+$0x0] =	vst.idx.add.f32.msk $0xffff, v2;
	v2 =	vand.u32 $0x3FFF, v5  }
0x2bb: {  	v6 =	vand.u32 $0x3FFF, v9;
	v21 =	vld.idx.msk [tilespmem:v18+s1+$0x0], $0xffff  }
0x2bc: {  	[tilespmem:v1+s0+$0x0] =	vst.idx.add.f32.msk $0xffff, v3;
	v3 =	vand.u32 $0x3FFF, v19  }
0x2bd: {  	v23 =	vld.idx.msk [tilespmem:v10+s2+$0x0], $0xffff;
	v12 =	vshra.s32 v4, $0xE  }
0x2be: {  	v10 =	vld [tilespmem:s12+$0x0]  }
0x2bf: {  	v24 =	vld.idx.msk [tilespmem:v2+s1+$0x0], $0xffff  }
0x2c0: {  	v25 =	vld.idx.msk [tilespmem:v6+s1+$0x0], $0xffff;
	v4 =	vmul.f32 v21, v11  }
0x2c1: {  	v5 =	vshra.s32 v5, $0xE;
	v61 =	vld.idx.msk [tilespmem:v3+s1+$0x0], $0xffff  }
0x2c2: {  	[tilespmem:v12+s0+$0x0] =	vst.idx.add.f32.msk $0xffff, v4;
	v4 =	vshra.s32 v9, $0xE;
	v9 =	vmul.f32 v20, v13  }
0x2c3: {  	v13 =	vmul.f32 v22, v14;
	v14 =	vld.idx.msk [tilespmem:v18+s2+$0x0], $0xffff  }
0x2c4: {  	v63 =	vmul.f32 v24, v7;
	[tilespmem:v15+s24+$0x0] =	vst.idx.add.f32.msk $0xffff, v9  }
0x2c5: {  	[tilespmem:v16+s24+$0x0] =	vst.idx.add.f32.msk $0xffff, v13;
	v62 =	vmul.f32 v25, v8  }
0x2c6: {  	[tilespmem:v5+s0+$0x0] =	vst.idx.add.f32.msk $0xffff, v63  }
0x2c7: {  	s13 =	simm.s32 $0x40;
	s14 =	simm.s32 $0x1A0A0;
	v9 =	vshra.s32 v19, $0xE;
	v13 =	vmul.f32 v23, v17;
	v15 =	vmul.f32 v61, v10;
	[tilespmem:v4+s0+$0x0] =	vst.idx.add.f32.msk $0xffff, v62  }
.LBB2_49:
0x2c8: {  	v16 =	vld [tilespmem:s14+$0x10];
	s13 =	sadd.s32 $0x40, s13  }
0x2c9: {  	v11 =	vmul.f32 v14, v11;
	v17 =	vld [tilespmem:s14+$0xFFFFFFF0];
	p0 =	slt.u32 s13, $0xFC0  }
0x2ca: {  	v14 =	vld [tilespmem:s14+$0x0]  }
0x2cb: {  	[tilespmem:v12+s24+$0x0] =	vst.idx.add.f32.msk $0xffff, v11  }
0x2cc: {  	v11 =	vld [tilespmem:s14+$0xFFFFFFE0]  }
0x2cd: {  	v18 =	vand.u32 $0x3FFF, v16;
	[tilespmem:v9+s0+$0x0] =	vst.idx.add.f32.msk $0xffff, v15  }
0x2ce: {  	v19 =	vshra.s32 v17, $0xE;
	v12 =	vand.u32 $0x3FFF, v17;
	v15 =	vld.idx.msk [tilespmem:v6+s2+$0x0], $0xffff  }
0x2cf: {  	v17 =	vshra.s32 v14, $0xE;
	v6 =	vand.u32 $0x3FFF, v14;
	v14 =	vld.idx.msk [tilespmem:v2+s2+$0x0], $0xffff;
	v2 =	vmov v12  }
0x2d0: {  	v20 =	vld.idx.msk [tilespmem:v3+s2+$0x0], $0xffff;
	v3 =	vmov v6  }
0x2d1: {  	v21 =	vshra.s32 v11, $0xE;
	v6 =	vand.u32 $0x3FFF, v11;
	[tilespmem:v1+s24+$0x0] =	vst.idx.add.f32.msk $0xffff, v13;
	v1 =	vmovc v9;
	v9 =	vmov v17  }
0x2d2: {  	s12 =	sadd.s32 $0x40, s12;
	v17 =	vld.idx.msk [tilespmem:v18+s1+$0x0], $0xffff  }
0x2d3: {  	v11 =	vld [tilespmem:s12+$0x10]  }
0x2d4: {  	v15 =	vmul.f32 v15, v8;
	v22 =	vld.idx.msk [tilespmem:v12+s1+$0x0], $0xffff  }
0x2d5: {  	v12 =	vshra.s32 v16, $0xE;
	v16 =	vmul.f32 v14, v7;
	v23 =	vld.idx.msk [tilespmem:v3+s1+$0x0], $0xffff  }
0x2d6: {  	v13 =	vmul.f32 v20, v10;
	v24 =	vld.idx.msk [tilespmem:v6+s1+$0x0], $0xffff  }
0x2d7: {  	v8 =	vld [tilespmem:s12+$0xFFFFFFE0]  }
0x2d8: {  	v7 =	vld [tilespmem:s12+$0xFFFFFFF0];
	v14 =	vmul.f32 v17, v11  }
0x2d9: {  	v10 =	vld [tilespmem:s12+$0x0]  }
0x2da: {  	[tilespmem:v12+s0+$0x0] =	vst.idx.add.f32.msk $0xffff, v14  }
.Ltmp23:
0x2db: {  	v14 =	vld.idx.msk [tilespmem:v18+s2+$0x0], $0xffff;
	(pc) =	sbr.rel @p0 .LBB2_49-.Ltmp23, $4  }
0x2dc: {  	v17 =	vmul.f32 v24, v8;
	[tilespmem:v4+s24+$0x0] =	vst.idx.add.f32.msk $0xffff, v15;
	v4 =	vmov v21  }
0x2dd: {  	v18 =	vmul.f32 v22, v7;
	[tilespmem:v5+s24+$0x0] =	vst.idx.add.f32.msk $0xffff, v16;
	v5 =	vmov v19  }
0x2de: {  	[tilespmem:v21+s0+$0x0] =	vst.idx.add.f32.msk $0xffff, v17;
	v15 =	vmul.f32 v23, v10  }
0x2df: {  	s14 =	sadd.s32 $0x40, s14;
	[tilespmem:v19+s0+$0x0] =	vst.idx.add.f32.msk $0xffff, v18  }
0x2e0: {  	_ =	sdelay $0x3  }
0x2e1: {  	[tilespmem:v9+s0+$0x0] =	vst.idx.add.f32.msk $0xffff, v15  }
0x2e2: {  	v6 =	vld.idx.msk [tilespmem:v6+s2+$0x0], $0xffff  }
0x2e3: {  	v2 =	vld.idx.msk [tilespmem:v2+s2+$0x0], $0xffff  }
0x2e4: {  	v3 =	vld.idx.msk [tilespmem:v3+s2+$0x0], $0xffff  }
0x2e5: {  	s11 =	sadd.s32 $0x1, s11  }
0x2e6: {  	v11 =	vmul.f32 v14, v11;
	p0 =	sne.s32 s11, $0x21  }
.Ltmp24:
0x2e7: {  	[tilespmem:v1+s24+$0x0] =	vst.idx.add.f32.msk $0xffff, v13;
	v6 =	vmul.f32 v6, v8;
	(pc) =	sbr.rel @p0 .LBB2_46-.Ltmp24, $4  }
0x2e8: {  	[tilespmem:v12+s24+$0x0] =	vst.idx.add.f32.msk $0xffff, v11;
	v1 =	vmul.f32 v2, v7  }
0x2e9: {  	v2 =	vmul.f32 v3, v10;
	[tilespmem:v4+s24+$0x0] =	vst.idx.add.f32.msk $0xffff, v6  }
0x2ea: {  	[tilespmem:v5+s24+$0x0] =	vst.idx.add.f32.msk $0xffff, v1  }
0x2eb: {  	[tilespmem:v9+s24+$0x0] =	vst.idx.add.f32.msk $0xffff, v2  }
0x2ec: {  	[hbm4b:s21+s30] =	stream.strided.scatter [tilespmem:s0], [sflag:$0x3], $0x4000, s31, s30, $0x38;
	[tilespmem:$0x1CD00] =	vst v63  }
0x2ed: {  	s10 =	sadd.s32 $0x1, s10;
	_ =	swait.ge [sflag:s25], $0x4000  }
0x2ee: {  	p0 =	sne.s32 s10, s23;
	[sflag:s25] =	ssyncset.done $0x0  }
.Ltmp25:
0x2ef: {  	[sflag:s25] =	ssyncadd.s32 $0xFFFFC000;
	(pc) =	sbr.rel @p0 .LBB2_1-.Ltmp25, $4  }
0x2f0: {  	[hbm4b:s22+s30] =	stream.strided.scatter [tilespmem:s24], [sflag:$0x3], $0x4000, s31, s30, $0x38;
	[tilespmem:$0x1CD00] =	vst v63  }
0x2f1: {  	_ =	swait.ge [sflag:s25], $0x4000  }
0x2f2: {  	[sflag:s25] =	ssyncset.done $0x0  }
0x2f3: {  	[sflag:s25] =	ssyncadd.s32 $0xFFFFC000  }
0x2f4: {  	_ =	sfence.sel $0x180000  }
0x2f5: {  	[bflag:$0x0] =	sbarrier.arrive $0xFFFF  }
0x2f6: {  	_ =	strace $0x90000047  }
0x2f7: {  	s0 =	stileid.u32;
	[bflag:$0x2] =	sbarrier.arrive $0xFFFF  }
0x2f8: {  	p0 =	sne.s32 s0, $0x0;
	s0 =	rddreg [dreg:$0x3]  }
0x2f9: {  	s0 =	sadd.s32 @!p0 $0x100000, s0  }
0x2fa: {  	[sflag:s0] =	ssyncadd.tile.s32 @!p0 $0x1;
	_ =	shalt  }
.Lfunc_end2:
_tile_overlayer_lowered:
.L_overlay_start_2:
0x2fb: {  	(tag) =	ssettag $0x2  }
0x2fc: {  	s0 =	rddreg [dreg:$0x0];
	s2 =	stileid.u32  }
0x2fd: {  	s1 =	rddreg [dreg:$0x1];
	p0 =	sne.s32 s2, $0x0  }
0x2fe: {  	s3 =	rddreg [dreg:$0x2];
	[bflag:$0x3] =	sbarrier.arrive $0xFFFF;
	s2 =	simm.s32 @!p0 $0x1C03  }
0x2ff: {  	[timem:s3], [sflag:s2] =	dma.local @!p0 [hbm:s0], s1  }
0x300: {  	s0 =	simm.s32 @!p0 $0x3  }
0x301: {  	_ =	swait.ge @!p0 [sflag:s0], s1  }
0x302: {  	s1 =	ssub.s32 @!p0 $0x0, s1;
	[sflag:s0] =	ssyncset.done @!p0 $0x0  }
0x303: {  	[sflag:s0] =	ssyncadd.s32 @!p0 s1  }
0x304: {  	[bflag:$0x3] =	sbarrier.arrive $0xFFFF  }
0x305: {  	_ =	shalt  }

</sc_bundles>
